<compile_context>
chip_gen: v7x
topology: tpu7x:2x2x1
jax: 0.10.2.dev20260603
libtpu: 0.0.44.dev20260713+nightly
codegen_flags: <defaults>
</compile_context>

<pallas_src>
import functools

import jax
import jax.numpy as jnp
from jax import lax
from jax.experimental import pallas as pl
from jax.experimental.pallas import tpu as pltpu
from jax.experimental.pallas import tpu_sc as plsc

_B = 4096
_D = 128
_LANES = 16
_CHUNKS = _D // _LANES
_PIPE = 2


def _make_loss_kernel(num_workers: int, b_per_w: int):
    mesh = plsc.VectorSubcoreMesh(core_axis_name="c", subcore_axis_name="s")
    rows = b_per_w // _PIPE

    @functools.partial(
        pl.kernel,
        mesh=mesh,
        out_type=jax.ShapeDtypeStruct((num_workers, _LANES), jnp.float32),
        scratch_types=[
            pltpu.VMEM((b_per_w,), jnp.int32),
            pltpu.VMEM((b_per_w,), jnp.int32),
            pltpu.VMEM((b_per_w,), jnp.int32),
            pltpu.VMEM((b_per_w, _LANES), jnp.float32),
            pltpu.VMEM((b_per_w, _D), jnp.float32),
            pltpu.VMEM((b_per_w, _D), jnp.float32),
            pltpu.VMEM((b_per_w, _D), jnp.float32),
            pltpu.VMEM((_LANES,), jnp.float32),
            pltpu.SemaphoreType.DMA,
        ] + [pltpu.SemaphoreType.DMA] * (2 * _PIPE),
    )
    def loss_kernel(h_hbm, r_hbm, t_hbm, v_hbm, ent_hbm, rel_hbm, out_hbm,
                    h_idx, r_idx, t_idx, v_vm, h_rows, r_rows, t_rows,
                    acc_vm, sem_v, *sems):
        sem_idx = sems[:_PIPE]
        sem_g = sems[_PIPE:]
        num_cores = lax.axis_size("c")
        wid = lax.axis_index("s") * num_cores + lax.axis_index("c")
        base = wid * b_per_w

        cp_idx = []
        for c in range(_PIPE):
            sl_vm = pl.ds(c * rows, rows)
            sl_hbm = pl.ds(base + c * rows, rows)
            cp_idx.append([
                pltpu.async_copy(h_hbm.at[sl_hbm], h_idx.at[sl_vm],
                                 sem_idx[c]),
                pltpu.async_copy(r_hbm.at[sl_hbm], r_idx.at[sl_vm],
                                 sem_idx[c]),
                pltpu.async_copy(t_hbm.at[sl_hbm], t_idx.at[sl_vm],
                                 sem_idx[c]),
            ])
        cp_v = pltpu.async_copy(v_hbm.at[pl.ds(base, b_per_w)], v_vm, sem_v)

        gathers = []
        for c in range(_PIPE):
            sl = pl.ds(c * rows, rows)
            for cp in cp_idx[c]:
                cp.wait()
            gathers.append((
                pltpu.async_copy(ent_hbm.at[h_idx.at[sl]],
                                 h_rows.at[sl], sem_g[c]),
                pltpu.async_copy(rel_hbm.at[r_idx.at[sl]],
                                 r_rows.at[sl], sem_g[c]),
                pltpu.async_copy(ent_hbm.at[t_idx.at[sl]],
                                 t_rows.at[sl], sem_g[c]),
            ))

        def body(i, acc):
            vv = v_vm[i, :]
            dd = jnp.zeros((_LANES,), jnp.float32)
            for k in range(_CHUNKS):
                sl = pl.ds(k * _LANES, _LANES)
                d = h_rows[i, sl] + r_rows[i, sl] - t_rows[i, sl]
                dd = dd + d * d
            return acc + dd * vv

        cp_v.wait()
        acc = jnp.zeros((_LANES,), jnp.float32)
        for c in range(_PIPE):
            for cp in gathers[c]:
                cp.wait()
            acc = plsc.parallel_loop(c * rows, (c + 1) * rows, unroll=8,
                                     carry=acc)(body)

        acc_vm[...] = acc
        pltpu.sync_copy(acc_vm, out_hbm.at[wid])

    return loss_kernel


def kernel(h, r, t, v, adj, ent_emb, rel_emb, W, b):
    info = plsc.get_sparse_core_info()
    num_workers = info.num_cores * info.num_subcores
    b_per_w = _B // num_workers
    loss_kernel = _make_loss_kernel(num_workers, b_per_w)
    v_rep = jnp.broadcast_to(v.astype(jnp.float32)[:, None], (_B, _LANES))
    partials = loss_kernel(
        h.astype(jnp.int32), r.astype(jnp.int32), t.astype(jnp.int32),
        v_rep, ent_emb, rel_emb)
    return jnp.sum(partials) / jnp.float32(_B)

# --- scband reference (transcript-rebuilt; emitter-appended) ---
"""Pipeline reference for scband-random-residual-gcn-85676007620789 (READ-ONLY COPY).

The authoritative reference and input builder live on the scoring server;
editing this copy changes nothing except your own understanding.
"""

import jax, jax.numpy as jnp
import numpy as np

NUM_ENTITIES = 10000
NUM_RELATIONS = 200
D = 128
E = 320000
B = 4096
NUM_LAYERS = 5
# Deterministic snapshot of the randomly-built structure (random.sample / random.choice
# in build_structure). Layer 0 skips to layer 2, layer 1 skips to layer 3.
SKIP_TO = [[2], [3], [], [], []]
AC_FUNC = ['ReLU', 'Tanh', 'ELU', 'ReLU', 'Tanh']


def _activation(x, name):
    if name == 'ReLU':
        return jax.nn.relu(x)
    if name == 'Tanh':
        return jnp.tanh(x)
    if name == 'SoftMax':
        return jax.nn.softmax(x, axis=1)
    if name == 'ELU':
        return jax.nn.elu(x)
    raise ValueError(name)


def setup_inputs(seed: int = 0) -> dict:
    key = jax.random.key(seed)
    ks = jax.random.split(key, 10)
    h = jax.random.randint(ks[0], (B,), 0, NUM_ENTITIES, dtype=jnp.int64 if jax.config.jax_enable_x64 else jnp.int32)
    r = jax.random.randint(ks[1], (B,), 0, NUM_RELATIONS)
    t = jax.random.randint(ks[2], (B,), 0, NUM_ENTITIES)
    v = jax.random.uniform(ks[3], (B,), dtype=jnp.float32)
    adj = jax.random.randint(ks[4], (2, E), 0, NUM_ENTITIES)
    ent_emb = jax.random.normal(ks[5], (NUM_ENTITIES, D), dtype=jnp.float32) * 0.02
    rel_emb = jax.random.normal(ks[6], (NUM_RELATIONS, D), dtype=jnp.float32) * 0.02
    W = jax.random.normal(ks[7], (NUM_LAYERS, D, D), dtype=jnp.float32) * (1.0 / np.sqrt(D))
    b = jnp.zeros((NUM_LAYERS, D), dtype=jnp.float32)
    return {"h": h, "r": r, "t": t, "v": v, "adj": adj,
            "ent_emb": ent_emb, "rel_emb": rel_emb, "W": W, "b": b}


def reference(h, r, t, v, adj, ent_emb, rel_emb, W, b):
    # x = entity_embeddings(arange(num_entity)) == full table
    x = ent_emb
    src = adj[0]
    dst = adj[1]
    outputs = []
    for i in range(NUM_LAYERS):
        # get_merged_x: sum current x with outputs of layers that skip to i, then kernel=relu(sum)
        merged = x
        for j in range(i):
            if i in SKIP_TO[j]:
                merged = merged + outputs[j]
        merged = jax.nn.relu(merged)
        # GCN layer: scatter-add aggregation of transformed neighbor features
        msg = merged @ W[i]
        agg = jax.ops.segment_sum(msg[src], dst, num_segments=NUM_ENTITIES) + b[i]
        x = _activation(agg, AC_FUNC[i])
        outputs.append(x)
    # loss_function: weighted TransE-style squared distance on the triple batch
    h_e = jnp.take(ent_emb, h, axis=0)
    r_e = jnp.take(rel_emb, r, axis=0)
    t_e = jnp.take(ent_emb, t, axis=0)
    score = jnp.sum((h_e + r_e - t_e) ** 2, axis=1)
    loss = jnp.mean(v * score)
    return loss

if __name__ == "__main__":
    import jax
    _d = setup_inputs()
    print(jax.jit(kernel)(*tuple(_d.values())))

</pallas_src>

<mosaic_0001>
#map = affine_map<(d0, d1) -> (0)>
#map1 = affine_map<(d0, d1) -> (0, 0)>
module attributes {stable_mosaic.version = 14 : i64} {
  func.func @loss_kernel(%arg0: i32, %arg1: i32, %arg2: memref<4096xi32, #tpu.memory_space<hbm>>, %arg3: memref<4096xi32, #tpu.memory_space<hbm>>, %arg4: memref<4096xi32, #tpu.memory_space<hbm>>, %arg5: memref<4096x16xf32, #tpu.memory_space<hbm>>, %arg6: memref<10000x128xf32, #tpu.memory_space<hbm>>, %arg7: memref<200x128xf32, #tpu.memory_space<hbm>>, %arg8: memref<32x16xf32, #tpu.memory_space<hbm>>, %arg9: memref<128xi32, #tpu.memory_space<vmem>>, %arg10: memref<128xi32, #tpu.memory_space<vmem>>, %arg11: memref<128xi32, #tpu.memory_space<vmem>>, %arg12: memref<128x16xf32, #tpu.memory_space<vmem>>, %arg13: memref<128x128xf32, #tpu.memory_space<vmem>>, %arg14: memref<128x128xf32, #tpu.memory_space<vmem>>, %arg15: memref<128x128xf32, #tpu.memory_space<vmem>>, %arg16: memref<16xf32, #tpu.memory_space<vmem>>, %arg17: memref<!tpu.dma_semaphore, #tpu.memory_space<semaphore_mem>>, %arg18: memref<!tpu.dma_semaphore, #tpu.memory_space<semaphore_mem>>, %arg19: memref<!tpu.dma_semaphore, #tpu.memory_space<semaphore_mem>>, %arg20: memref<!tpu.dma_semaphore, #tpu.memory_space<semaphore_mem>>, %arg21: memref<!tpu.dma_semaphore, #tpu.memory_space<semaphore_mem>>) attributes {dimension_semantics = [#tpu.dimension_semantics<core_parallel>, #tpu.dimension_semantics<subcore_parallel>], iteration_bounds = array<i64: 2, 16>, scalar_prefetch = 0 : i64, scratch_operands = 13 : i64, tpu.core_type = #tpu.core_type<sc_vector_subcore>, window_params = [{transform_indices = #map}, {transform_indices = #map}, {transform_indices = #map}, {transform_indices = #map1}, {transform_indices = #map1}, {transform_indices = #map1}, {transform_indices = #map1}]} {
    %mul3A = arith.constant 2 : i32
    %mul3A_0 = arith.muli %arg1, %mul3A : i32
    %add3A = arith.addi %mul3A_0, %arg0 : i32
    %mul3A_1 = arith.constant 128 : i32
    %mul3A_2 = arith.muli %add3A, %mul3A_1 : i32
    %add3A_3 = arith.constant 0 : i32
    %add3A_4 = arith.addi %mul3A_2, %add3A_3 : i32
    %dma_start3A = arith.constant 0 : i32
    %dma_start3A_5 = tpu.memref_slice %arg9[%dma_start3A] : memref<128xi32, #tpu.memory_space<vmem>> -> memref<64xi32, #tpu.memory_space<vmem>>
    %dma_start3A_6 = tpu.memref_slice %arg2[%add3A_4] : memref<4096xi32, #tpu.memory_space<hbm>> -> memref<64xi32, #tpu.memory_space<hbm>>
    %dma_start3A_7 = arith.constant 0 : i32
    %dma_start3A_8 = tpu.memref_slice %arg9[%dma_start3A_7] : memref<128xi32, #tpu.memory_space<vmem>> -> memref<64xi32, #tpu.memory_space<vmem>>
    %dma_start3A_9 = tpu.memref_slice %arg2[%add3A_4] : memref<4096xi32, #tpu.memory_space<hbm>> -> memref<64xi32, #tpu.memory_space<hbm>>
    tpu.enqueue_dma source(%dma_start3A_9 : memref<64xi32, #tpu.memory_space<hbm>>) target(%dma_start3A_8 : memref<64xi32, #tpu.memory_space<vmem>>) target_semaphore(%arg18 : memref<!tpu.dma_semaphore, #tpu.memory_space<semaphore_mem>>)
    %dma_start3A_10 = arith.constant 0 : i32
    %dma_start3A_11 = tpu.memref_slice %arg10[%dma_start3A_10] : memref<128xi32, #tpu.memory_space<vmem>> -> memref<64xi32, #tpu.memory_space<vmem>>
    %dma_start3A_12 = tpu.memref_slice %arg3[%add3A_4] : memref<4096xi32, #tpu.memory_space<hbm>> -> memref<64xi32, #tpu.memory_space<hbm>>
    %dma_start3A_13 = arith.constant 0 : i32
    %dma_start3A_14 = tpu.memref_slice %arg10[%dma_start3A_13] : memref<128xi32, #tpu.memory_space<vmem>> -> memref<64xi32, #tpu.memory_space<vmem>>
    %dma_start3A_15 = tpu.memref_slice %arg3[%add3A_4] : memref<4096xi32, #tpu.memory_space<hbm>> -> memref<64xi32, #tpu.memory_space<hbm>>
    tpu.enqueue_dma source(%dma_start3A_15 : memref<64xi32, #tpu.memory_space<hbm>>) target(%dma_start3A_14 : memref<64xi32, #tpu.memory_space<vmem>>) target_semaphore(%arg18 : memref<!tpu.dma_semaphore, #tpu.memory_space<semaphore_mem>>)
    %dma_start3A_16 = arith.constant 0 : i32
    %dma_start3A_17 = tpu.memref_slice %arg11[%dma_start3A_16] : memref<128xi32, #tpu.memory_space<vmem>> -> memref<64xi32, #tpu.memory_space<vmem>>
    %dma_start3A_18 = tpu.memref_slice %arg4[%add3A_4] : memref<4096xi32, #tpu.memory_space<hbm>> -> memref<64xi32, #tpu.memory_space<hbm>>
    %dma_start3A_19 = arith.constant 0 : i32
    %dma_start3A_20 = tpu.memref_slice %arg11[%dma_start3A_19] : memref<128xi32, #tpu.memory_space<vmem>> -> memref<64xi32, #tpu.memory_space<vmem>>
    %dma_start3A_21 = tpu.memref_slice %arg4[%add3A_4] : memref<4096xi32, #tpu.memory_space<hbm>> -> memref<64xi32, #tpu.memory_space<hbm>>
    tpu.enqueue_dma source(%dma_start3A_21 : memref<64xi32, #tpu.memory_space<hbm>>) target(%dma_start3A_20 : memref<64xi32, #tpu.memory_space<vmem>>) target_semaphore(%arg18 : memref<!tpu.dma_semaphore, #tpu.memory_space<semaphore_mem>>)
    %add3A_22 = arith.constant 64 : i32
    %add3A_23 = arith.addi %mul3A_2, %add3A_22 : i32
    %dma_start3A_24 = arith.constant 64 : i32
    %dma_start3A_25 = tpu.memref_slice %arg9[%dma_start3A_24] : memref<128xi32, #tpu.memory_space<vmem>> -> memref<64xi32, #tpu.memory_space<vmem>>
    %dma_start3A_26 = tpu.memref_slice %arg2[%add3A_23] : memref<4096xi32, #tpu.memory_space<hbm>> -> memref<64xi32, #tpu.memory_space<hbm>>
    %dma_start3A_27 = arith.constant 64 : i32
    %dma_start3A_28 = tpu.memref_slice %arg9[%dma_start3A_27] : memref<128xi32, #tpu.memory_space<vmem>> -> memref<64xi32, #tpu.memory_space<vmem>>
    %dma_start3A_29 = tpu.memref_slice %arg2[%add3A_23] : memref<4096xi32, #tpu.memory_space<hbm>> -> memref<64xi32, #tpu.memory_space<hbm>>
    tpu.enqueue_dma source(%dma_start3A_29 : memref<64xi32, #tpu.memory_space<hbm>>) target(%dma_start3A_28 : memref<64xi32, #tpu.memory_space<vmem>>) target_semaphore(%arg19 : memref<!tpu.dma_semaphore, #tpu.memory_space<semaphore_mem>>)
    %dma_start3A_30 = arith.constant 64 : i32
    %dma_start3A_31 = tpu.memref_slice %arg10[%dma_start3A_30] : memref<128xi32, #tpu.memory_space<vmem>> -> memref<64xi32, #tpu.memory_space<vmem>>
    %dma_start3A_32 = tpu.memref_slice %arg3[%add3A_23] : memref<4096xi32, #tpu.memory_space<hbm>> -> memref<64xi32, #tpu.memory_space<hbm>>
    %dma_start3A_33 = arith.constant 64 : i32
    %dma_start3A_34 = tpu.memref_slice %arg10[%dma_start3A_33] : memref<128xi32, #tpu.memory_space<vmem>> -> memref<64xi32, #tpu.memory_space<vmem>>
    %dma_start3A_35 = tpu.memref_slice %arg3[%add3A_23] : memref<4096xi32, #tpu.memory_space<hbm>> -> memref<64xi32, #tpu.memory_space<hbm>>
    tpu.enqueue_dma source(%dma_start3A_35 : memref<64xi32, #tpu.memory_space<hbm>>) target(%dma_start3A_34 : memref<64xi32, #tpu.memory_space<vmem>>) target_semaphore(%arg19 : memref<!tpu.dma_semaphore, #tpu.memory_space<semaphore_mem>>)
    %dma_start3A_36 = arith.constant 64 : i32
    %dma_start3A_37 = tpu.memref_slice %arg11[%dma_start3A_36] : memref<128xi32, #tpu.memory_space<vmem>> -> memref<64xi32, #tpu.memory_space<vmem>>
    %dma_start3A_38 = tpu.memref_slice %arg4[%add3A_23] : memref<4096xi32, #tpu.memory_space<hbm>> -> memref<64xi32, #tpu.memory_space<hbm>>
    %dma_start3A_39 = arith.constant 64 : i32
    %dma_start3A_40 = tpu.memref_slice %arg11[%dma_start3A_39] : memref<128xi32, #tpu.memory_space<vmem>> -> memref<64xi32, #tpu.memory_space<vmem>>
    %dma_start3A_41 = tpu.memref_slice %arg4[%add3A_23] : memref<4096xi32, #tpu.memory_space<hbm>> -> memref<64xi32, #tpu.memory_space<hbm>>
    tpu.enqueue_dma source(%dma_start3A_41 : memref<64xi32, #tpu.memory_space<hbm>>) target(%dma_start3A_40 : memref<64xi32, #tpu.memory_space<vmem>>) target_semaphore(%arg19 : memref<!tpu.dma_semaphore, #tpu.memory_space<semaphore_mem>>)
    %dma_start3A_42 = arith.constant 0 : i32
    %dma_start3A_43 = tpu.memref_slice %arg5[%mul3A_2, %dma_start3A_42] : memref<4096x16xf32, #tpu.memory_space<hbm>> -> memref<128x16xf32, #tpu.memory_space<hbm>>
    %dma_start3A_44 = arith.constant 0 : i32
    %dma_start3A_45 = tpu.memref_slice %arg5[%mul3A_2, %dma_start3A_44] : memref<4096x16xf32, #tpu.memory_space<hbm>> -> memref<128x16xf32, #tpu.memory_space<hbm>>
    tpu.enqueue_dma source(%dma_start3A_45 : memref<128x16xf32, #tpu.memory_space<hbm>>) target(%arg12 : memref<128x16xf32, #tpu.memory_space<vmem>>) target_semaphore(%arg17 : memref<!tpu.dma_semaphore, #tpu.memory_space<semaphore_mem>>)
    %dma_wait3A = arith.constant 0 : i32
    %dma_wait3A_46 = tpu.memref_slice %arg9[%dma_wait3A] : memref<128xi32, #tpu.memory_space<vmem>> -> memref<64xi32, #tpu.memory_space<vmem>>
    %dma_wait3A_47 = tpu.memref_slice %arg2[%add3A_4] : memref<4096xi32, #tpu.memory_space<hbm>> -> memref<64xi32, #tpu.memory_space<hbm>>
    %dma_wait3A_48 = arith.constant 0 : i32
    %dma_wait3A_49 = tpu.memref_slice %arg9[%dma_wait3A_48] : memref<128xi32, #tpu.memory_space<vmem>> -> memref<64xi32, #tpu.memory_space<vmem>>
    %dma_wait3A_50 = tpu.memref_slice %arg2[%add3A_4] : memref<4096xi32, #tpu.memory_space<hbm>> -> memref<64xi32, #tpu.memory_space<hbm>>
    tpu.wait_dma2 semaphore(%arg18 : memref<!tpu.dma_semaphore, #tpu.memory_space<semaphore_mem>>) src(%dma_wait3A_50 : memref<64xi32, #tpu.memory_space<hbm>>) dst(%dma_wait3A_49 : memref<64xi32, #tpu.memory_space<vmem>>)
    %dma_wait3A_51 = arith.constant 0 : i32
    %dma_wait3A_52 = tpu.memref_slice %arg10[%dma_wait3A_51] : memref<128xi32, #tpu.memory_space<vmem>> -> memref<64xi32, #tpu.memory_space<vmem>>
    %dma_wait3A_53 = tpu.memref_slice %arg3[%add3A_4] : memref<4096xi32, #tpu.memory_space<hbm>> -> memref<64xi32, #tpu.memory_space<hbm>>
    %dma_wait3A_54 = arith.constant 0 : i32
    %dma_wait3A_55 = tpu.memref_slice %arg10[%dma_wait3A_54] : memref<128xi32, #tpu.memory_space<vmem>> -> memref<64xi32, #tpu.memory_space<vmem>>
    %dma_wait3A_56 = tpu.memref_slice %arg3[%add3A_4] : memref<4096xi32, #tpu.memory_space<hbm>> -> memref<64xi32, #tpu.memory_space<hbm>>
    tpu.wait_dma2 semaphore(%arg18 : memref<!tpu.dma_semaphore, #tpu.memory_space<semaphore_mem>>) src(%dma_wait3A_56 : memref<64xi32, #tpu.memory_space<hbm>>) dst(%dma_wait3A_55 : memref<64xi32, #tpu.memory_space<vmem>>)
    %dma_wait3A_57 = arith.constant 0 : i32
    %dma_wait3A_58 = tpu.memref_slice %arg11[%dma_wait3A_57] : memref<128xi32, #tpu.memory_space<vmem>> -> memref<64xi32, #tpu.memory_space<vmem>>
    %dma_wait3A_59 = tpu.memref_slice %arg4[%add3A_4] : memref<4096xi32, #tpu.memory_space<hbm>> -> memref<64xi32, #tpu.memory_space<hbm>>
    %dma_wait3A_60 = arith.constant 0 : i32
    %dma_wait3A_61 = tpu.memref_slice %arg11[%dma_wait3A_60] : memref<128xi32, #tpu.memory_space<vmem>> -> memref<64xi32, #tpu.memory_space<vmem>>
    %dma_wait3A_62 = tpu.memref_slice %arg4[%add3A_4] : memref<4096xi32, #tpu.memory_space<hbm>> -> memref<64xi32, #tpu.memory_space<hbm>>
    tpu.wait_dma2 semaphore(%arg18 : memref<!tpu.dma_semaphore, #tpu.memory_space<semaphore_mem>>) src(%dma_wait3A_62 : memref<64xi32, #tpu.memory_space<hbm>>) dst(%dma_wait3A_61 : memref<64xi32, #tpu.memory_space<vmem>>)
    %dma_start3A_63 = arith.constant 0 : i32
    %dma_start3A_64 = arith.constant 0 : i32
    %dma_start3A_65 = tpu.memref_slice %arg13[%dma_start3A_63, %dma_start3A_64] : memref<128x128xf32, #tpu.memory_space<vmem>> -> memref<64x128xf32, #tpu.memory_space<vmem>>
    %dma_start3A_66 = arith.constant 0 : i32
    %dma_start3A_67 = tpu.memref_slice %arg9[%dma_start3A_66] : memref<128xi32, #tpu.memory_space<vmem>> -> memref<64xi32, #tpu.memory_space<vmem>>
    %dma_start3A_68 = arith.constant 0 : i32
    %dma_start3A_69 = arith.constant 0 : i32
    %dma_start3A_70 = tpu.memref_slice %arg6[%dma_start3A_68, %dma_start3A_69] : memref<10000x128xf32, #tpu.memory_space<hbm>> -> memref<10000x128xf32, #tpu.memory_space<hbm>>
    tpu.enqueue_indirect_dma source(%dma_start3A_70 : memref<10000x128xf32, #tpu.memory_space<hbm>>) target(%dma_start3A_65 : memref<64x128xf32, #tpu.memory_space<vmem>>) offsets(%dma_start3A_67 : memref<64xi32, #tpu.memory_space<vmem>>) semaphore(%arg20 : memref<!tpu.dma_semaphore, #tpu.memory_space<semaphore_mem>>)
    %dma_start3A_71 = arith.constant 0 : i32
    %dma_start3A_72 = arith.constant 0 : i32
    %dma_start3A_73 = tpu.memref_slice %arg14[%dma_start3A_71, %dma_start3A_72] : memref<128x128xf32, #tpu.memory_space<vmem>> -> memref<64x128xf32, #tpu.memory_space<vmem>>
    %dma_start3A_74 = arith.constant 0 : i32
    %dma_start3A_75 = tpu.memref_slice %arg10[%dma_start3A_74] : memref<128xi32, #tpu.memory_space<vmem>> -> memref<64xi32, #tpu.memory_space<vmem>>
    %dma_start3A_76 = arith.constant 0 : i32
    %dma_start3A_77 = arith.constant 0 : i32
    %dma_start3A_78 = tpu.memref_slice %arg7[%dma_start3A_76, %dma_start3A_77] : memref<200x128xf32, #tpu.memory_space<hbm>> -> memref<200x128xf32, #tpu.memory_space<hbm>>
    tpu.enqueue_indirect_dma source(%dma_start3A_78 : memref<200x128xf32, #tpu.memory_space<hbm>>) target(%dma_start3A_73 : memref<64x128xf32, #tpu.memory_space<vmem>>) offsets(%dma_start3A_75 : memref<64xi32, #tpu.memory_space<vmem>>) semaphore(%arg20 : memref<!tpu.dma_semaphore, #tpu.memory_space<semaphore_mem>>)
    %dma_start3A_79 = arith.constant 0 : i32
    %dma_start3A_80 = arith.constant 0 : i32
    %dma_start3A_81 = tpu.memref_slice %arg15[%dma_start3A_79, %dma_start3A_80] : memref<128x128xf32, #tpu.memory_space<vmem>> -> memref<64x128xf32, #tpu.memory_space<vmem>>
    %dma_start3A_82 = arith.constant 0 : i32
    %dma_start3A_83 = tpu.memref_slice %arg11[%dma_start3A_82] : memref<128xi32, #tpu.memory_space<vmem>> -> memref<64xi32, #tpu.memory_space<vmem>>
    %dma_start3A_84 = arith.constant 0 : i32
    %dma_start3A_85 = arith.constant 0 : i32
    %dma_start3A_86 = tpu.memref_slice %arg6[%dma_start3A_84, %dma_start3A_85] : memref<10000x128xf32, #tpu.memory_space<hbm>> -> memref<10000x128xf32, #tpu.memory_space<hbm>>
    tpu.enqueue_indirect_dma source(%dma_start3A_86 : memref<10000x128xf32, #tpu.memory_space<hbm>>) target(%dma_start3A_81 : memref<64x128xf32, #tpu.memory_space<vmem>>) offsets(%dma_start3A_83 : memref<64xi32, #tpu.memory_space<vmem>>) semaphore(%arg20 : memref<!tpu.dma_semaphore, #tpu.memory_space<semaphore_mem>>)
    %dma_wait3A_87 = arith.constant 64 : i32
    %dma_wait3A_88 = tpu.memref_slice %arg9[%dma_wait3A_87] : memref<128xi32, #tpu.memory_space<vmem>> -> memref<64xi32, #tpu.memory_space<vmem>>
    %dma_wait3A_89 = tpu.memref_slice %arg2[%add3A_23] : memref<4096xi32, #tpu.memory_space<hbm>> -> memref<64xi32, #tpu.memory_space<hbm>>
    %dma_wait3A_90 = arith.constant 64 : i32
    %dma_wait3A_91 = tpu.memref_slice %arg9[%dma_wait3A_90] : memref<128xi32, #tpu.memory_space<vmem>> -> memref<64xi32, #tpu.memory_space<vmem>>
    %dma_wait3A_92 = tpu.memref_slice %arg2[%add3A_23] : memref<4096xi32, #tpu.memory_space<hbm>> -> memref<64xi32, #tpu.memory_space<hbm>>
    tpu.wait_dma2 semaphore(%arg19 : memref<!tpu.dma_semaphore, #tpu.memory_space<semaphore_mem>>) src(%dma_wait3A_92 : memref<64xi32, #tpu.memory_space<hbm>>) dst(%dma_wait3A_91 : memref<64xi32, #tpu.memory_space<vmem>>)
    %dma_wait3A_93 = arith.constant 64 : i32
    %dma_wait3A_94 = tpu.memref_slice %arg10[%dma_wait3A_93] : memref<128xi32, #tpu.memory_space<vmem>> -> memref<64xi32, #tpu.memory_space<vmem>>
    %dma_wait3A_95 = tpu.memref_slice %arg3[%add3A_23] : memref<4096xi32, #tpu.memory_space<hbm>> -> memref<64xi32, #tpu.memory_space<hbm>>
    %dma_wait3A_96 = arith.constant 64 : i32
    %dma_wait3A_97 = tpu.memref_slice %arg10[%dma_wait3A_96] : memref<128xi32, #tpu.memory_space<vmem>> -> memref<64xi32, #tpu.memory_space<vmem>>
    %dma_wait3A_98 = tpu.memref_slice %arg3[%add3A_23] : memref<4096xi32, #tpu.memory_space<hbm>> -> memref<64xi32, #tpu.memory_space<hbm>>
    tpu.wait_dma2 semaphore(%arg19 : memref<!tpu.dma_semaphore, #tpu.memory_space<semaphore_mem>>) src(%dma_wait3A_98 : memref<64xi32, #tpu.memory_space<hbm>>) dst(%dma_wait3A_97 : memref<64xi32, #tpu.memory_space<vmem>>)
    %dma_wait3A_99 = arith.constant 64 : i32
    %dma_wait3A_100 = tpu.memref_slice %arg11[%dma_wait3A_99] : memref<128xi32, #tpu.memory_space<vmem>> -> memref<64xi32, #tpu.memory_space<vmem>>
    %dma_wait3A_101 = tpu.memref_slice %arg4[%add3A_23] : memref<4096xi32, #tpu.memory_space<hbm>> -> memref<64xi32, #tpu.memory_space<hbm>>
    %dma_wait3A_102 = arith.constant 64 : i32
    %dma_wait3A_103 = tpu.memref_slice %arg11[%dma_wait3A_102] : memref<128xi32, #tpu.memory_space<vmem>> -> memref<64xi32, #tpu.memory_space<vmem>>
    %dma_wait3A_104 = tpu.memref_slice %arg4[%add3A_23] : memref<4096xi32, #tpu.memory_space<hbm>> -> memref<64xi32, #tpu.memory_space<hbm>>
    tpu.wait_dma2 semaphore(%arg19 : memref<!tpu.dma_semaphore, #tpu.memory_space<semaphore_mem>>) src(%dma_wait3A_104 : memref<64xi32, #tpu.memory_space<hbm>>) dst(%dma_wait3A_103 : memref<64xi32, #tpu.memory_space<vmem>>)
    %dma_start3A_105 = arith.constant 64 : i32
    %dma_start3A_106 = arith.constant 0 : i32
    %dma_start3A_107 = tpu.memref_slice %arg13[%dma_start3A_105, %dma_start3A_106] : memref<128x128xf32, #tpu.memory_space<vmem>> -> memref<64x128xf32, #tpu.memory_space<vmem>>
    %dma_start3A_108 = arith.constant 64 : i32
    %dma_start3A_109 = tpu.memref_slice %arg9[%dma_start3A_108] : memref<128xi32, #tpu.memory_space<vmem>> -> memref<64xi32, #tpu.memory_space<vmem>>
    %dma_start3A_110 = arith.constant 0 : i32
    %dma_start3A_111 = arith.constant 0 : i32
    %dma_start3A_112 = tpu.memref_slice %arg6[%dma_start3A_110, %dma_start3A_111] : memref<10000x128xf32, #tpu.memory_space<hbm>> -> memref<10000x128xf32, #tpu.memory_space<hbm>>
    tpu.enqueue_indirect_dma source(%dma_start3A_112 : memref<10000x128xf32, #tpu.memory_space<hbm>>) target(%dma_start3A_107 : memref<64x128xf32, #tpu.memory_space<vmem>>) offsets(%dma_start3A_109 : memref<64xi32, #tpu.memory_space<vmem>>) semaphore(%arg21 : memref<!tpu.dma_semaphore, #tpu.memory_space<semaphore_mem>>)
    %dma_start3A_113 = arith.constant 64 : i32
    %dma_start3A_114 = arith.constant 0 : i32
    %dma_start3A_115 = tpu.memref_slice %arg14[%dma_start3A_113, %dma_start3A_114] : memref<128x128xf32, #tpu.memory_space<vmem>> -> memref<64x128xf32, #tpu.memory_space<vmem>>
    %dma_start3A_116 = arith.constant 64 : i32
    %dma_start3A_117 = tpu.memref_slice %arg10[%dma_start3A_116] : memref<128xi32, #tpu.memory_space<vmem>> -> memref<64xi32, #tpu.memory_space<vmem>>
    %dma_start3A_118 = arith.constant 0 : i32
    %dma_start3A_119 = arith.constant 0 : i32
    %dma_start3A_120 = tpu.memref_slice %arg7[%dma_start3A_118, %dma_start3A_119] : memref<200x128xf32, #tpu.memory_space<hbm>> -> memref<200x128xf32, #tpu.memory_space<hbm>>
    tpu.enqueue_indirect_dma source(%dma_start3A_120 : memref<200x128xf32, #tpu.memory_space<hbm>>) target(%dma_start3A_115 : memref<64x128xf32, #tpu.memory_space<vmem>>) offsets(%dma_start3A_117 : memref<64xi32, #tpu.memory_space<vmem>>) semaphore(%arg21 : memref<!tpu.dma_semaphore, #tpu.memory_space<semaphore_mem>>)
    %dma_start3A_121 = arith.constant 64 : i32
    %dma_start3A_122 = arith.constant 0 : i32
    %dma_start3A_123 = tpu.memref_slice %arg15[%dma_start3A_121, %dma_start3A_122] : memref<128x128xf32, #tpu.memory_space<vmem>> -> memref<64x128xf32, #tpu.memory_space<vmem>>
    %dma_start3A_124 = arith.constant 64 : i32
    %dma_start3A_125 = tpu.memref_slice %arg11[%dma_start3A_124] : memref<128xi32, #tpu.memory_space<vmem>> -> memref<64xi32, #tpu.memory_space<vmem>>
    %dma_start3A_126 = arith.constant 0 : i32
    %dma_start3A_127 = arith.constant 0 : i32
    %dma_start3A_128 = tpu.memref_slice %arg6[%dma_start3A_126, %dma_start3A_127] : memref<10000x128xf32, #tpu.memory_space<hbm>> -> memref<10000x128xf32, #tpu.memory_space<hbm>>
    tpu.enqueue_indirect_dma source(%dma_start3A_128 : memref<10000x128xf32, #tpu.memory_space<hbm>>) target(%dma_start3A_123 : memref<64x128xf32, #tpu.memory_space<vmem>>) offsets(%dma_start3A_125 : memref<64xi32, #tpu.memory_space<vmem>>) semaphore(%arg21 : memref<!tpu.dma_semaphore, #tpu.memory_space<semaphore_mem>>)
    %dma_wait3A_129 = arith.constant 0 : i32
    %dma_wait3A_130 = tpu.memref_slice %arg5[%mul3A_2, %dma_wait3A_129] : memref<4096x16xf32, #tpu.memory_space<hbm>> -> memref<128x16xf32, #tpu.memory_space<hbm>>
    %dma_wait3A_131 = arith.constant 0 : i32
    %dma_wait3A_132 = tpu.memref_slice %arg5[%mul3A_2, %dma_wait3A_131] : memref<4096x16xf32, #tpu.memory_space<hbm>> -> memref<128x16xf32, #tpu.memory_space<hbm>>
    tpu.wait_dma2 semaphore(%arg17 : memref<!tpu.dma_semaphore, #tpu.memory_space<semaphore_mem>>) src(%dma_wait3A_132 : memref<128x16xf32, #tpu.memory_space<hbm>>) dst(%arg12 : memref<128x16xf32, #tpu.memory_space<vmem>>)
    %broadcast_in_dim3A = arith.constant 0.000000e+00 : f32
    %broadcast_in_dim3A_133 = vector.broadcast %broadcast_in_dim3A : f32 to vector<16xf32>
    %dma_wait3A_134 = arith.constant 0 : i32
    %dma_wait3A_135 = arith.constant 0 : i32
    %dma_wait3A_136 = tpu.memref_slice %arg13[%dma_wait3A_134, %dma_wait3A_135] : memref<128x128xf32, #tpu.memory_space<vmem>> -> memref<64x128xf32, #tpu.memory_space<vmem>>
    %dma_wait3A_137 = arith.constant 0 : i32
    %dma_wait3A_138 = tpu.memref_slice %arg9[%dma_wait3A_137] : memref<128xi32, #tpu.memory_space<vmem>> -> memref<64xi32, #tpu.memory_space<vmem>>
    %dma_wait3A_139 = arith.constant 0 : i32
    %dma_wait3A_140 = arith.constant 0 : i32
    %dma_wait3A_141 = tpu.memref_slice %arg6[%dma_wait3A_139, %dma_wait3A_140] : memref<10000x128xf32, #tpu.memory_space<hbm>> -> memref<10000x128xf32, #tpu.memory_space<hbm>>
    tpu.wait_indirect_dma semaphore(%arg20 : memref<!tpu.dma_semaphore, #tpu.memory_space<semaphore_mem>>) src(%dma_wait3A_141 : memref<10000x128xf32, #tpu.memory_space<hbm>>) dst(%dma_wait3A_136 : memref<64x128xf32, #tpu.memory_space<vmem>>)
    %dma_wait3A_142 = arith.constant 0 : i32
    %dma_wait3A_143 = arith.constant 0 : i32
    %dma_wait3A_144 = tpu.memref_slice %arg14[%dma_wait3A_142, %dma_wait3A_143] : memref<128x128xf32, #tpu.memory_space<vmem>> -> memref<64x128xf32, #tpu.memory_space<vmem>>
    %dma_wait3A_145 = arith.constant 0 : i32
    %dma_wait3A_146 = tpu.memref_slice %arg10[%dma_wait3A_145] : memref<128xi32, #tpu.memory_space<vmem>> -> memref<64xi32, #tpu.memory_space<vmem>>
    %dma_wait3A_147 = arith.constant 0 : i32
    %dma_wait3A_148 = arith.constant 0 : i32
    %dma_wait3A_149 = tpu.memref_slice %arg7[%dma_wait3A_147, %dma_wait3A_148] : memref<200x128xf32, #tpu.memory_space<hbm>> -> memref<200x128xf32, #tpu.memory_space<hbm>>
    tpu.wait_indirect_dma semaphore(%arg20 : memref<!tpu.dma_semaphore, #tpu.memory_space<semaphore_mem>>) src(%dma_wait3A_149 : memref<200x128xf32, #tpu.memory_space<hbm>>) dst(%dma_wait3A_144 : memref<64x128xf32, #tpu.memory_space<vmem>>)
    %dma_wait3A_150 = arith.constant 0 : i32
    %dma_wait3A_151 = arith.constant 0 : i32
    %dma_wait3A_152 = tpu.memref_slice %arg15[%dma_wait3A_150, %dma_wait3A_151] : memref<128x128xf32, #tpu.memory_space<vmem>> -> memref<64x128xf32, #tpu.memory_space<vmem>>
    %dma_wait3A_153 = arith.constant 0 : i32
    %dma_wait3A_154 = tpu.memref_slice %arg11[%dma_wait3A_153] : memref<128xi32, #tpu.memory_space<vmem>> -> memref<64xi32, #tpu.memory_space<vmem>>
    %dma_wait3A_155 = arith.constant 0 : i32
    %dma_wait3A_156 = arith.constant 0 : i32
    %dma_wait3A_157 = tpu.memref_slice %arg6[%dma_wait3A_155, %dma_wait3A_156] : memref<10000x128xf32, #tpu.memory_space<hbm>> -> memref<10000x128xf32, #tpu.memory_space<hbm>>
    tpu.wait_indirect_dma semaphore(%arg20 : memref<!tpu.dma_semaphore, #tpu.memory_space<semaphore_mem>>) src(%dma_wait3A_157 : memref<10000x128xf32, #tpu.memory_space<hbm>>) dst(%dma_wait3A_152 : memref<64x128xf32, #tpu.memory_space<vmem>>)
    %parallel_loop3A = arith.constant 0 : i32
    %parallel_loop3A_158 = arith.constant 64 : i32
    %parallel_loop3A_159 = arith.constant 1 : i32
    %parallel_loop3A_160 = scf.for %parallel_loop3A_192 = %parallel_loop3A to %parallel_loop3A_158 step %parallel_loop3A_159 iter_args(%parallel_loop3A_193 = %broadcast_in_dim3A_133) -> (vector<16xf32>)  : i32 {
      %parallel_loop3A_194 = arith.index_cast %parallel_loop3A_192 : i32 to index
      %parallel_loop3A_195 = arith.constant 0 : index
      %parallel_loop3A_196 = tpu.vector_load %arg12[%parallel_loop3A_194, %parallel_loop3A_195] {strides = array<i32>} : memref<128x16xf32, #tpu.memory_space<vmem>>, vector<1x16xf32>,
      %parallel_loop3A_197 = vector.shape_cast %parallel_loop3A_196 : vector<1x16xf32> to vector<16xf32>
      %parallel_loop3A_198 = arith.constant 0.000000e+00 : f32
      %parallel_loop3A_199 = vector.broadcast %parallel_loop3A_198 : f32 to vector<16xf32>
      %parallel_loop3A_200 = arith.index_cast %parallel_loop3A_192 : i32 to index
      %parallel_loop3A_201 = arith.constant 0 : index
      %parallel_loop3A_202 = tpu.vector_load %arg13[%parallel_loop3A_200, %parallel_loop3A_201] {strides = array<i32>} : memref<128x128xf32, #tpu.memory_space<vmem>>, vector<1x16xf32>,
      %parallel_loop3A_203 = vector.shape_cast %parallel_loop3A_202 : vector<1x16xf32> to vector<16xf32>
      %parallel_loop3A_204 = arith.index_cast %parallel_loop3A_192 : i32 to index
      %parallel_loop3A_205 = arith.constant 0 : index
      %parallel_loop3A_206 = tpu.vector_load %arg14[%parallel_loop3A_204, %parallel_loop3A_205] {strides = array<i32>} : memref<128x128xf32, #tpu.memory_space<vmem>>, vector<1x16xf32>,
      %parallel_loop3A_207 = vector.shape_cast %parallel_loop3A_206 : vector<1x16xf32> to vector<16xf32>
      %parallel_loop3A_208 = arith.addf %parallel_loop3A_203, %parallel_loop3A_207 : vector<16xf32>
      %parallel_loop3A_209 = arith.index_cast %parallel_loop3A_192 : i32 to index
      %parallel_loop3A_210 = arith.constant 0 : index
      %parallel_loop3A_211 = tpu.vector_load %arg15[%parallel_loop3A_209, %parallel_loop3A_210] {strides = array<i32>} : memref<128x128xf32, #tpu.memory_space<vmem>>, vector<1x16xf32>,
      %parallel_loop3A_212 = vector.shape_cast %parallel_loop3A_211 : vector<1x16xf32> to vector<16xf32>
      %parallel_loop3A_213 = arith.subf %parallel_loop3A_208, %parallel_loop3A_212 : vector<16xf32>
      %parallel_loop3A_214 = arith.mulf %parallel_loop3A_213, %parallel_loop3A_213 : vector<16xf32>
      %parallel_loop3A_215 = arith.addf %parallel_loop3A_199, %parallel_loop3A_214 : vector<16xf32>
      %parallel_loop3A_216 = arith.index_cast %parallel_loop3A_192 : i32 to index
      %parallel_loop3A_217 = arith.constant 16 : index
      %parallel_loop3A_218 = tpu.vector_load %arg13[%parallel_loop3A_216, %parallel_loop3A_217] {strides = array<i32>} : memref<128x128xf32, #tpu.memory_space<vmem>>, vector<1x16xf32>,
      %parallel_loop3A_219 = vector.shape_cast %parallel_loop3A_218 : vector<1x16xf32> to vector<16xf32>
      %parallel_loop3A_220 = arith.index_cast %parallel_loop3A_192 : i32 to index
      %parallel_loop3A_221 = arith.constant 16 : index
      %parallel_loop3A_222 = tpu.vector_load %arg14[%parallel_loop3A_220, %parallel_loop3A_221] {strides = array<i32>} : memref<128x128xf32, #tpu.memory_space<vmem>>, vector<1x16xf32>,
      %parallel_loop3A_223 = vector.shape_cast %parallel_loop3A_222 : vector<1x16xf32> to vector<16xf32>
      %parallel_loop3A_224 = arith.addf %parallel_loop3A_219, %parallel_loop3A_223 : vector<16xf32>
      %parallel_loop3A_225 = arith.index_cast %parallel_loop3A_192 : i32 to index
      %parallel_loop3A_226 = arith.constant 16 : index
      %parallel_loop3A_227 = tpu.vector_load %arg15[%parallel_loop3A_225, %parallel_loop3A_226] {strides = array<i32>} : memref<128x128xf32, #tpu.memory_space<vmem>>, vector<1x16xf32>,
      %parallel_loop3A_228 = vector.shape_cast %parallel_loop3A_227 : vector<1x16xf32> to vector<16xf32>
      %parallel_loop3A_229 = arith.subf %parallel_loop3A_224, %parallel_loop3A_228 : vector<16xf32>
      %parallel_loop3A_230 = arith.mulf %parallel_loop3A_229, %parallel_loop3A_229 : vector<16xf32>
      %parallel_loop3A_231 = arith.addf %parallel_loop3A_215, %parallel_loop3A_230 : vector<16xf32>
      %parallel_loop3A_232 = arith.index_cast %parallel_loop3A_192 : i32 to index
      %parallel_loop3A_233 = arith.constant 32 : index
      %parallel_loop3A_234 = tpu.vector_load %arg13[%parallel_loop3A_232, %parallel_loop3A_233] {strides = array<i32>} : memref<128x128xf32, #tpu.memory_space<vmem>>, vector<1x16xf32>,
      %parallel_loop3A_235 = vector.shape_cast %parallel_loop3A_234 : vector<1x16xf32> to vector<16xf32>
      %parallel_loop3A_236 = arith.index_cast %parallel_loop3A_192 : i32 to index
      %parallel_loop3A_237 = arith.constant 32 : index
      %parallel_loop3A_238 = tpu.vector_load %arg14[%parallel_loop3A_236, %parallel_loop3A_237] {strides = array<i32>} : memref<128x128xf32, #tpu.memory_space<vmem>>, vector<1x16xf32>,
      %parallel_loop3A_239 = vector.shape_cast %parallel_loop3A_238 : vector<1x16xf32> to vector<16xf32>
      %parallel_loop3A_240 = arith.addf %parallel_loop3A_235, %parallel_loop3A_239 : vector<16xf32>
      %parallel_loop3A_241 = arith.index_cast %parallel_loop3A_192 : i32 to index
      %parallel_loop3A_242 = arith.constant 32 : index
      %parallel_loop3A_243 = tpu.vector_load %arg15[%parallel_loop3A_241, %parallel_loop3A_242] {strides = array<i32>} : memref<128x128xf32, #tpu.memory_space<vmem>>, vector<1x16xf32>,
      %parallel_loop3A_244 = vector.shape_cast %parallel_loop3A_243 : vector<1x16xf32> to vector<16xf32>
      %parallel_loop3A_245 = arith.subf %parallel_loop3A_240, %parallel_loop3A_244 : vector<16xf32>
      %parallel_loop3A_246 = arith.mulf %parallel_loop3A_245, %parallel_loop3A_245 : vector<16xf32>
      %parallel_loop3A_247 = arith.addf %parallel_loop3A_231, %parallel_loop3A_246 : vector<16xf32>
      %parallel_loop3A_248 = arith.index_cast %parallel_loop3A_192 : i32 to index
      %parallel_loop3A_249 = arith.constant 48 : index
      %parallel_loop3A_250 = tpu.vector_load %arg13[%parallel_loop3A_248, %parallel_loop3A_249] {strides = array<i32>} : memref<128x128xf32, #tpu.memory_space<vmem>>, vector<1x16xf32>,
      %parallel_loop3A_251 = vector.shape_cast %parallel_loop3A_250 : vector<1x16xf32> to vector<16xf32>
      %parallel_loop3A_252 = arith.index_cast %parallel_loop3A_192 : i32 to index
      %parallel_loop3A_253 = arith.constant 48 : index
      %parallel_loop3A_254 = tpu.vector_load %arg14[%parallel_loop3A_252, %parallel_loop3A_253] {strides = array<i32>} : memref<128x128xf32, #tpu.memory_space<vmem>>, vector<1x16xf32>,
      %parallel_loop3A_255 = vector.shape_cast %parallel_loop3A_254 : vector<1x16xf32> to vector<16xf32>
      %parallel_loop3A_256 = arith.addf %parallel_loop3A_251, %parallel_loop3A_255 : vector<16xf32>
      %parallel_loop3A_257 = arith.index_cast %parallel_loop3A_192 : i32 to index
      %parallel_loop3A_258 = arith.constant 48 : index
      %parallel_loop3A_259 = tpu.vector_load %arg15[%parallel_loop3A_257, %parallel_loop3A_258] {strides = array<i32>} : memref<128x128xf32, #tpu.memory_space<vmem>>, vector<1x16xf32>,
      %parallel_loop3A_260 = vector.shape_cast %parallel_loop3A_259 : vector<1x16xf32> to vector<16xf32>
      %parallel_loop3A_261 = arith.subf %parallel_loop3A_256, %parallel_loop3A_260 : vector<16xf32>
      %parallel_loop3A_262 = arith.mulf %parallel_loop3A_261, %parallel_loop3A_261 : vector<16xf32>
      %parallel_loop3A_263 = arith.addf %parallel_loop3A_247, %parallel_loop3A_262 : vector<16xf32>
      %parallel_loop3A_264 = arith.index_cast %parallel_loop3A_192 : i32 to index
      %parallel_loop3A_265 = arith.constant 64 : index
      %parallel_loop3A_266 = tpu.vector_load %arg13[%parallel_loop3A_264, %parallel_loop3A_265] {strides = array<i32>} : memref<128x128xf32, #tpu.memory_space<vmem>>, vector<1x16xf32>,
      %parallel_loop3A_267 = vector.shape_cast %parallel_loop3A_266 : vector<1x16xf32> to vector<16xf32>
      %parallel_loop3A_268 = arith.index_cast %parallel_loop3A_192 : i32 to index
      %parallel_loop3A_269 = arith.constant 64 : index
      %parallel_loop3A_270 = tpu.vector_load %arg14[%parallel_loop3A_268, %parallel_loop3A_269] {strides = array<i32>} : memref<128x128xf32, #tpu.memory_space<vmem>>, vector<1x16xf32>,
      %parallel_loop3A_271 = vector.shape_cast %parallel_loop3A_270 : vector<1x16xf32> to vector<16xf32>
      %parallel_loop3A_272 = arith.addf %parallel_loop3A_267, %parallel_loop3A_271 : vector<16xf32>
      %parallel_loop3A_273 = arith.index_cast %parallel_loop3A_192 : i32 to index
      %parallel_loop3A_274 = arith.constant 64 : index
      %parallel_loop3A_275 = tpu.vector_load %arg15[%parallel_loop3A_273, %parallel_loop3A_274] {strides = array<i32>} : memref<128x128xf32, #tpu.memory_space<vmem>>, vector<1x16xf32>,
      %parallel_loop3A_276 = vector.shape_cast %parallel_loop3A_275 : vector<1x16xf32> to vector<16xf32>
      %parallel_loop3A_277 = arith.subf %parallel_loop3A_272, %parallel_loop3A_276 : vector<16xf32>
      %parallel_loop3A_278 = arith.mulf %parallel_loop3A_277, %parallel_loop3A_277 : vector<16xf32>
      %parallel_loop3A_279 = arith.addf %parallel_loop3A_263, %parallel_loop3A_278 : vector<16xf32>
      %parallel_loop3A_280 = arith.index_cast %parallel_loop3A_192 : i32 to index
      %parallel_loop3A_281 = arith.constant 80 : index
      %parallel_loop3A_282 = tpu.vector_load %arg13[%parallel_loop3A_280, %parallel_loop3A_281] {strides = array<i32>} : memref<128x128xf32, #tpu.memory_space<vmem>>, vector<1x16xf32>,
      %parallel_loop3A_283 = vector.shape_cast %parallel_loop3A_282 : vector<1x16xf32> to vector<16xf32>
      %parallel_loop3A_284 = arith.index_cast %parallel_loop3A_192 : i32 to index
      %parallel_loop3A_285 = arith.constant 80 : index
      %parallel_loop3A_286 = tpu.vector_load %arg14[%parallel_loop3A_284, %parallel_loop3A_285] {strides = array<i32>} : memref<128x128xf32, #tpu.memory_space<vmem>>, vector<1x16xf32>,
      %parallel_loop3A_287 = vector.shape_cast %parallel_loop3A_286 : vector<1x16xf32> to vector<16xf32>
      %parallel_loop3A_288 = arith.addf %parallel_loop3A_283, %parallel_loop3A_287 : vector<16xf32>
      %parallel_loop3A_289 = arith.index_cast %parallel_loop3A_192 : i32 to index
      %parallel_loop3A_290 = arith.constant 80 : index
      %parallel_loop3A_291 = tpu.vector_load %arg15[%parallel_loop3A_289, %parallel_loop3A_290] {strides = array<i32>} : memref<128x128xf32, #tpu.memory_space<vmem>>, vector<1x16xf32>,
      %parallel_loop3A_292 = vector.shape_cast %parallel_loop3A_291 : vector<1x16xf32> to vector<16xf32>
      %parallel_loop3A_293 = arith.subf %parallel_loop3A_288, %parallel_loop3A_292 : vector<16xf32>
      %parallel_loop3A_294 = arith.mulf %parallel_loop3A_293, %parallel_loop3A_293 : vector<16xf32>
      %parallel_loop3A_295 = arith.addf %parallel_loop3A_279, %parallel_loop3A_294 : vector<16xf32>
      %parallel_loop3A_296 = arith.index_cast %parallel_loop3A_192 : i32 to index
      %parallel_loop3A_297 = arith.constant 96 : index
      %parallel_loop3A_298 = tpu.vector_load %arg13[%parallel_loop3A_296, %parallel_loop3A_297] {strides = array<i32>} : memref<128x128xf32, #tpu.memory_space<vmem>>, vector<1x16xf32>,
      %parallel_loop3A_299 = vector.shape_cast %parallel_loop3A_298 : vector<1x16xf32> to vector<16xf32>
      %parallel_loop3A_300 = arith.index_cast %parallel_loop3A_192 : i32 to index
      %parallel_loop3A_301 = arith.constant 96 : index
      %parallel_loop3A_302 = tpu.vector_load %arg14[%parallel_loop3A_300, %parallel_loop3A_301] {strides = array<i32>} : memref<128x128xf32, #tpu.memory_space<vmem>>, vector<1x16xf32>,
      %parallel_loop3A_303 = vector.shape_cast %parallel_loop3A_302 : vector<1x16xf32> to vector<16xf32>
      %parallel_loop3A_304 = arith.addf %parallel_loop3A_299, %parallel_loop3A_303 : vector<16xf32>
      %parallel_loop3A_305 = arith.index_cast %parallel_loop3A_192 : i32 to index
      %parallel_loop3A_306 = arith.constant 96 : index
      %parallel_loop3A_307 = tpu.vector_load %arg15[%parallel_loop3A_305, %parallel_loop3A_306] {strides = array<i32>} : memref<128x128xf32, #tpu.memory_space<vmem>>, vector<1x16xf32>,
      %parallel_loop3A_308 = vector.shape_cast %parallel_loop3A_307 : vector<1x16xf32> to vector<16xf32>
      %parallel_loop3A_309 = arith.subf %parallel_loop3A_304, %parallel_loop3A_308 : vector<16xf32>
      %parallel_loop3A_310 = arith.mulf %parallel_loop3A_309, %parallel_loop3A_309 : vector<16xf32>
      %parallel_loop3A_311 = arith.addf %parallel_loop3A_295, %parallel_loop3A_310 : vector<16xf32>
      %parallel_loop3A_312 = arith.index_cast %parallel_loop3A_192 : i32 to index
      %parallel_loop3A_313 = arith.constant 112 : index
      %parallel_loop3A_314 = tpu.vector_load %arg13[%parallel_loop3A_312, %parallel_loop3A_313] {strides = array<i32>} : memref<128x128xf32, #tpu.memory_space<vmem>>, vector<1x16xf32>,
      %parallel_loop3A_315 = vector.shape_cast %parallel_loop3A_314 : vector<1x16xf32> to vector<16xf32>
      %parallel_loop3A_316 = arith.index_cast %parallel_loop3A_192 : i32 to index
      %parallel_loop3A_317 = arith.constant 112 : index
      %parallel_loop3A_318 = tpu.vector_load %arg14[%parallel_loop3A_316, %parallel_loop3A_317] {strides = array<i32>} : memref<128x128xf32, #tpu.memory_space<vmem>>, vector<1x16xf32>,
      %parallel_loop3A_319 = vector.shape_cast %parallel_loop3A_318 : vector<1x16xf32> to vector<16xf32>
      %parallel_loop3A_320 = arith.addf %parallel_loop3A_315, %parallel_loop3A_319 : vector<16xf32>
      %parallel_loop3A_321 = arith.index_cast %parallel_loop3A_192 : i32 to index
      %parallel_loop3A_322 = arith.constant 112 : index
      %parallel_loop3A_323 = tpu.vector_load %arg15[%parallel_loop3A_321, %parallel_loop3A_322] {strides = array<i32>} : memref<128x128xf32, #tpu.memory_space<vmem>>, vector<1x16xf32>,
      %parallel_loop3A_324 = vector.shape_cast %parallel_loop3A_323 : vector<1x16xf32> to vector<16xf32>
      %parallel_loop3A_325 = arith.subf %parallel_loop3A_320, %parallel_loop3A_324 : vector<16xf32>
      %parallel_loop3A_326 = arith.mulf %parallel_loop3A_325, %parallel_loop3A_325 : vector<16xf32>
      %parallel_loop3A_327 = arith.addf %parallel_loop3A_311, %parallel_loop3A_326 : vector<16xf32>
      %parallel_loop3A_328 = arith.mulf %parallel_loop3A_327, %parallel_loop3A_197 : vector<16xf32>
      %parallel_loop3A_329 = arith.addf %parallel_loop3A_193, %parallel_loop3A_328 : vector<16xf32>
      scf.yield %parallel_loop3A_329 : vector<16xf32>
    } {sc.loop_unroll_factor = 8 : i64, sc.parallel_access}
    %dma_wait3A_161 = arith.constant 64 : i32
    %dma_wait3A_162 = arith.constant 0 : i32
    %dma_wait3A_163 = tpu.memref_slice %arg13[%dma_wait3A_161, %dma_wait3A_162] : memref<128x128xf32, #tpu.memory_space<vmem>> -> memref<64x128xf32, #tpu.memory_space<vmem>>
    %dma_wait3A_164 = arith.constant 64 : i32
    %dma_wait3A_165 = tpu.memref_slice %arg9[%dma_wait3A_164] : memref<128xi32, #tpu.memory_space<vmem>> -> memref<64xi32, #tpu.memory_space<vmem>>
    %dma_wait3A_166 = arith.constant 0 : i32
    %dma_wait3A_167 = arith.constant 0 : i32
    %dma_wait3A_168 = tpu.memref_slice %arg6[%dma_wait3A_166, %dma_wait3A_167] : memref<10000x128xf32, #tpu.memory_space<hbm>> -> memref<10000x128xf32, #tpu.memory_space<hbm>>
    tpu.wait_indirect_dma semaphore(%arg21 : memref<!tpu.dma_semaphore, #tpu.memory_space<semaphore_mem>>) src(%dma_wait3A_168 : memref<10000x128xf32, #tpu.memory_space<hbm>>) dst(%dma_wait3A_163 : memref<64x128xf32, #tpu.memory_space<vmem>>)
    %dma_wait3A_169 = arith.constant 64 : i32
    %dma_wait3A_170 = arith.constant 0 : i32
    %dma_wait3A_171 = tpu.memref_slice %arg14[%dma_wait3A_169, %dma_wait3A_170] : memref<128x128xf32, #tpu.memory_space<vmem>> -> memref<64x128xf32, #tpu.memory_space<vmem>>
    %dma_wait3A_172 = arith.constant 64 : i32
    %dma_wait3A_173 = tpu.memref_slice %arg10[%dma_wait3A_172] : memref<128xi32, #tpu.memory_space<vmem>> -> memref<64xi32, #tpu.memory_space<vmem>>
    %dma_wait3A_174 = arith.constant 0 : i32
    %dma_wait3A_175 = arith.constant 0 : i32
    %dma_wait3A_176 = tpu.memref_slice %arg7[%dma_wait3A_174, %dma_wait3A_175] : memref<200x128xf32, #tpu.memory_space<hbm>> -> memref<200x128xf32, #tpu.memory_space<hbm>>
    tpu.wait_indirect_dma semaphore(%arg21 : memref<!tpu.dma_semaphore, #tpu.memory_space<semaphore_mem>>) src(%dma_wait3A_176 : memref<200x128xf32, #tpu.memory_space<hbm>>) dst(%dma_wait3A_171 : memref<64x128xf32, #tpu.memory_space<vmem>>)
    %dma_wait3A_177 = arith.constant 64 : i32
    %dma_wait3A_178 = arith.constant 0 : i32
    %dma_wait3A_179 = tpu.memref_slice %arg15[%dma_wait3A_177, %dma_wait3A_178] : memref<128x128xf32, #tpu.memory_space<vmem>> -> memref<64x128xf32, #tpu.memory_space<vmem>>
    %dma_wait3A_180 = arith.constant 64 : i32
    %dma_wait3A_181 = tpu.memref_slice %arg11[%dma_wait3A_180] : memref<128xi32, #tpu.memory_space<vmem>> -> memref<64xi32, #tpu.memory_space<vmem>>
    %dma_wait3A_182 = arith.constant 0 : i32
    %dma_wait3A_183 = arith.constant 0 : i32
    %dma_wait3A_184 = tpu.memref_slice %arg6[%dma_wait3A_182, %dma_wait3A_183] : memref<10000x128xf32, #tpu.memory_space<hbm>> -> memref<10000x128xf32, #tpu.memory_space<hbm>>
    tpu.wait_indirect_dma semaphore(%arg21 : memref<!tpu.dma_semaphore, #tpu.memory_space<semaphore_mem>>) src(%dma_wait3A_184 : memref<10000x128xf32, #tpu.memory_space<hbm>>) dst(%dma_wait3A_179 : memref<64x128xf32, #tpu.memory_space<vmem>>)
    %parallel_loop3A_185 = arith.constant 64 : i32
    %parallel_loop3A_186 = arith.constant 128 : i32
    %parallel_loop3A_187 = arith.constant 1 : i32
    %parallel_loop3A_188 = scf.for %parallel_loop3A_192 = %parallel_loop3A_185 to %parallel_loop3A_186 step %parallel_loop3A_187 iter_args(%parallel_loop3A_193 = %parallel_loop3A_160) -> (vector<16xf32>)  : i32 {
      %parallel_loop3A_194 = arith.index_cast %parallel_loop3A_192 : i32 to index
      %parallel_loop3A_195 = arith.constant 0 : index
      %parallel_loop3A_196 = tpu.vector_load %arg12[%parallel_loop3A_194, %parallel_loop3A_195] {strides = array<i32>} : memref<128x16xf32, #tpu.memory_space<vmem>>, vector<1x16xf32>,
      %parallel_loop3A_197 = vector.shape_cast %parallel_loop3A_196 : vector<1x16xf32> to vector<16xf32>
      %parallel_loop3A_198 = arith.constant 0.000000e+00 : f32
      %parallel_loop3A_199 = vector.broadcast %parallel_loop3A_198 : f32 to vector<16xf32>
      %parallel_loop3A_200 = arith.index_cast %parallel_loop3A_192 : i32 to index
      %parallel_loop3A_201 = arith.constant 0 : index
      %parallel_loop3A_202 = tpu.vector_load %arg13[%parallel_loop3A_200, %parallel_loop3A_201] {strides = array<i32>} : memref<128x128xf32, #tpu.memory_space<vmem>>, vector<1x16xf32>,
      %parallel_loop3A_203 = vector.shape_cast %parallel_loop3A_202 : vector<1x16xf32> to vector<16xf32>
      %parallel_loop3A_204 = arith.index_cast %parallel_loop3A_192 : i32 to index
      %parallel_loop3A_205 = arith.constant 0 : index
      %parallel_loop3A_206 = tpu.vector_load %arg14[%parallel_loop3A_204, %parallel_loop3A_205] {strides = array<i32>} : memref<128x128xf32, #tpu.memory_space<vmem>>, vector<1x16xf32>,
      %parallel_loop3A_207 = vector.shape_cast %parallel_loop3A_206 : vector<1x16xf32> to vector<16xf32>
      %parallel_loop3A_208 = arith.addf %parallel_loop3A_203, %parallel_loop3A_207 : vector<16xf32>
      %parallel_loop3A_209 = arith.index_cast %parallel_loop3A_192 : i32 to index
      %parallel_loop3A_210 = arith.constant 0 : index
      %parallel_loop3A_211 = tpu.vector_load %arg15[%parallel_loop3A_209, %parallel_loop3A_210] {strides = array<i32>} : memref<128x128xf32, #tpu.memory_space<vmem>>, vector<1x16xf32>,
      %parallel_loop3A_212 = vector.shape_cast %parallel_loop3A_211 : vector<1x16xf32> to vector<16xf32>
      %parallel_loop3A_213 = arith.subf %parallel_loop3A_208, %parallel_loop3A_212 : vector<16xf32>
      %parallel_loop3A_214 = arith.mulf %parallel_loop3A_213, %parallel_loop3A_213 : vector<16xf32>
      %parallel_loop3A_215 = arith.addf %parallel_loop3A_199, %parallel_loop3A_214 : vector<16xf32>
      %parallel_loop3A_216 = arith.index_cast %parallel_loop3A_192 : i32 to index
      %parallel_loop3A_217 = arith.constant 16 : index
      %parallel_loop3A_218 = tpu.vector_load %arg13[%parallel_loop3A_216, %parallel_loop3A_217] {strides = array<i32>} : memref<128x128xf32, #tpu.memory_space<vmem>>, vector<1x16xf32>,
      %parallel_loop3A_219 = vector.shape_cast %parallel_loop3A_218 : vector<1x16xf32> to vector<16xf32>
      %parallel_loop3A_220 = arith.index_cast %parallel_loop3A_192 : i32 to index
      %parallel_loop3A_221 = arith.constant 16 : index
      %parallel_loop3A_222 = tpu.vector_load %arg14[%parallel_loop3A_220, %parallel_loop3A_221] {strides = array<i32>} : memref<128x128xf32, #tpu.memory_space<vmem>>, vector<1x16xf32>,
      %parallel_loop3A_223 = vector.shape_cast %parallel_loop3A_222 : vector<1x16xf32> to vector<16xf32>
      %parallel_loop3A_224 = arith.addf %parallel_loop3A_219, %parallel_loop3A_223 : vector<16xf32>
      %parallel_loop3A_225 = arith.index_cast %parallel_loop3A_192 : i32 to index
      %parallel_loop3A_226 = arith.constant 16 : index
      %parallel_loop3A_227 = tpu.vector_load %arg15[%parallel_loop3A_225, %parallel_loop3A_226] {strides = array<i32>} : memref<128x128xf32, #tpu.memory_space<vmem>>, vector<1x16xf32>,
      %parallel_loop3A_228 = vector.shape_cast %parallel_loop3A_227 : vector<1x16xf32> to vector<16xf32>
      %parallel_loop3A_229 = arith.subf %parallel_loop3A_224, %parallel_loop3A_228 : vector<16xf32>
      %parallel_loop3A_230 = arith.mulf %parallel_loop3A_229, %parallel_loop3A_229 : vector<16xf32>
      %parallel_loop3A_231 = arith.addf %parallel_loop3A_215, %parallel_loop3A_230 : vector<16xf32>
      %parallel_loop3A_232 = arith.index_cast %parallel_loop3A_192 : i32 to index
      %parallel_loop3A_233 = arith.constant 32 : index
      %parallel_loop3A_234 = tpu.vector_load %arg13[%parallel_loop3A_232, %parallel_loop3A_233] {strides = array<i32>} : memref<128x128xf32, #tpu.memory_space<vmem>>, vector<1x16xf32>,
      %parallel_loop3A_235 = vector.shape_cast %parallel_loop3A_234 : vector<1x16xf32> to vector<16xf32>
      %parallel_loop3A_236 = arith.index_cast %parallel_loop3A_192 : i32 to index
      %parallel_loop3A_237 = arith.constant 32 : index
      %parallel_loop3A_238 = tpu.vector_load %arg14[%parallel_loop3A_236, %parallel_loop3A_237] {strides = array<i32>} : memref<128x128xf32, #tpu.memory_space<vmem>>, vector<1x16xf32>,
      %parallel_loop3A_239 = vector.shape_cast %parallel_loop3A_238 : vector<1x16xf32> to vector<16xf32>
      %parallel_loop3A_240 = arith.addf %parallel_loop3A_235, %parallel_loop3A_239 : vector<16xf32>
      %parallel_loop3A_241 = arith.index_cast %parallel_loop3A_192 : i32 to index
      %parallel_loop3A_242 = arith.constant 32 : index
      %parallel_loop3A_243 = tpu.vector_load %arg15[%parallel_loop3A_241, %parallel_loop3A_242] {strides = array<i32>} : memref<128x128xf32, #tpu.memory_space<vmem>>, vector<1x16xf32>,
      %parallel_loop3A_244 = vector.shape_cast %parallel_loop3A_243 : vector<1x16xf32> to vector<16xf32>
      %parallel_loop3A_245 = arith.subf %parallel_loop3A_240, %parallel_loop3A_244 : vector<16xf32>
      %parallel_loop3A_246 = arith.mulf %parallel_loop3A_245, %parallel_loop3A_245 : vector<16xf32>
      %parallel_loop3A_247 = arith.addf %parallel_loop3A_231, %parallel_loop3A_246 : vector<16xf32>
      %parallel_loop3A_248 = arith.index_cast %parallel_loop3A_192 : i32 to index
      %parallel_loop3A_249 = arith.constant 48 : index
      %parallel_loop3A_250 = tpu.vector_load %arg13[%parallel_loop3A_248, %parallel_loop3A_249] {strides = array<i32>} : memref<128x128xf32, #tpu.memory_space<vmem>>, vector<1x16xf32>,
      %parallel_loop3A_251 = vector.shape_cast %parallel_loop3A_250 : vector<1x16xf32> to vector<16xf32>
      %parallel_loop3A_252 = arith.index_cast %parallel_loop3A_192 : i32 to index
      %parallel_loop3A_253 = arith.constant 48 : index
      %parallel_loop3A_254 = tpu.vector_load %arg14[%parallel_loop3A_252, %parallel_loop3A_253] {strides = array<i32>} : memref<128x128xf32, #tpu.memory_space<vmem>>, vector<1x16xf32>,
      %parallel_loop3A_255 = vector.shape_cast %parallel_loop3A_254 : vector<1x16xf32> to vector<16xf32>
      %parallel_loop3A_256 = arith.addf %parallel_loop3A_251, %parallel_loop3A_255 : vector<16xf32>
      %parallel_loop3A_257 = arith.index_cast %parallel_loop3A_192 : i32 to index
      %parallel_loop3A_258 = arith.constant 48 : index
      %parallel_loop3A_259 = tpu.vector_load %arg15[%parallel_loop3A_257, %parallel_loop3A_258] {strides = array<i32>} : memref<128x128xf32, #tpu.memory_space<vmem>>, vector<1x16xf32>,
      %parallel_loop3A_260 = vector.shape_cast %parallel_loop3A_259 : vector<1x16xf32> to vector<16xf32>
      %parallel_loop3A_261 = arith.subf %parallel_loop3A_256, %parallel_loop3A_260 : vector<16xf32>
      %parallel_loop3A_262 = arith.mulf %parallel_loop3A_261, %parallel_loop3A_261 : vector<16xf32>
      %parallel_loop3A_263 = arith.addf %parallel_loop3A_247, %parallel_loop3A_262 : vector<16xf32>
      %parallel_loop3A_264 = arith.index_cast %parallel_loop3A_192 : i32 to index
      %parallel_loop3A_265 = arith.constant 64 : index
      %parallel_loop3A_266 = tpu.vector_load %arg13[%parallel_loop3A_264, %parallel_loop3A_265] {strides = array<i32>} : memref<128x128xf32, #tpu.memory_space<vmem>>, vector<1x16xf32>,
      %parallel_loop3A_267 = vector.shape_cast %parallel_loop3A_266 : vector<1x16xf32> to vector<16xf32>
      %parallel_loop3A_268 = arith.index_cast %parallel_loop3A_192 : i32 to index
      %parallel_loop3A_269 = arith.constant 64 : index
      %parallel_loop3A_270 = tpu.vector_load %arg14[%parallel_loop3A_268, %parallel_loop3A_269] {strides = array<i32>} : memref<128x128xf32, #tpu.memory_space<vmem>>, vector<1x16xf32>,
      %parallel_loop3A_271 = vector.shape_cast %parallel_loop3A_270 : vector<1x16xf32> to vector<16xf32>
      %parallel_loop3A_272 = arith.addf %parallel_loop3A_267, %parallel_loop3A_271 : vector<16xf32>
      %parallel_loop3A_273 = arith.index_cast %parallel_loop3A_192 : i32 to index
      %parallel_loop3A_274 = arith.constant 64 : index
      %parallel_loop3A_275 = tpu.vector_load %arg15[%parallel_loop3A_273, %parallel_loop3A_274] {strides = array<i32>} : memref<128x128xf32, #tpu.memory_space<vmem>>, vector<1x16xf32>,
      %parallel_loop3A_276 = vector.shape_cast %parallel_loop3A_275 : vector<1x16xf32> to vector<16xf32>
      %parallel_loop3A_277 = arith.subf %parallel_loop3A_272, %parallel_loop3A_276 : vector<16xf32>
      %parallel_loop3A_278 = arith.mulf %parallel_loop3A_277, %parallel_loop3A_277 : vector<16xf32>
      %parallel_loop3A_279 = arith.addf %parallel_loop3A_263, %parallel_loop3A_278 : vector<16xf32>
      %parallel_loop3A_280 = arith.index_cast %parallel_loop3A_192 : i32 to index
      %parallel_loop3A_281 = arith.constant 80 : index
      %parallel_loop3A_282 = tpu.vector_load %arg13[%parallel_loop3A_280, %parallel_loop3A_281] {strides = array<i32>} : memref<128x128xf32, #tpu.memory_space<vmem>>, vector<1x16xf32>,
      %parallel_loop3A_283 = vector.shape_cast %parallel_loop3A_282 : vector<1x16xf32> to vector<16xf32>
      %parallel_loop3A_284 = arith.index_cast %parallel_loop3A_192 : i32 to index
      %parallel_loop3A_285 = arith.constant 80 : index
      %parallel_loop3A_286 = tpu.vector_load %arg14[%parallel_loop3A_284, %parallel_loop3A_285] {strides = array<i32>} : memref<128x128xf32, #tpu.memory_space<vmem>>, vector<1x16xf32>,
      %parallel_loop3A_287 = vector.shape_cast %parallel_loop3A_286 : vector<1x16xf32> to vector<16xf32>
      %parallel_loop3A_288 = arith.addf %parallel_loop3A_283, %parallel_loop3A_287 : vector<16xf32>
      %parallel_loop3A_289 = arith.index_cast %parallel_loop3A_192 : i32 to index
      %parallel_loop3A_290 = arith.constant 80 : index
      %parallel_loop3A_291 = tpu.vector_load %arg15[%parallel_loop3A_289, %parallel_loop3A_290] {strides = array<i32>} : memref<128x128xf32, #tpu.memory_space<vmem>>, vector<1x16xf32>,
      %parallel_loop3A_292 = vector.shape_cast %parallel_loop3A_291 : vector<1x16xf32> to vector<16xf32>
      %parallel_loop3A_293 = arith.subf %parallel_loop3A_288, %parallel_loop3A_292 : vector<16xf32>
      %parallel_loop3A_294 = arith.mulf %parallel_loop3A_293, %parallel_loop3A_293 : vector<16xf32>
      %parallel_loop3A_295 = arith.addf %parallel_loop3A_279, %parallel_loop3A_294 : vector<16xf32>
      %parallel_loop3A_296 = arith.index_cast %parallel_loop3A_192 : i32 to index
      %parallel_loop3A_297 = arith.constant 96 : index
      %parallel_loop3A_298 = tpu.vector_load %arg13[%parallel_loop3A_296, %parallel_loop3A_297] {strides = array<i32>} : memref<128x128xf32, #tpu.memory_space<vmem>>, vector<1x16xf32>,
      %parallel_loop3A_299 = vector.shape_cast %parallel_loop3A_298 : vector<1x16xf32> to vector<16xf32>
      %parallel_loop3A_300 = arith.index_cast %parallel_loop3A_192 : i32 to index
      %parallel_loop3A_301 = arith.constant 96 : index
      %parallel_loop3A_302 = tpu.vector_load %arg14[%parallel_loop3A_300, %parallel_loop3A_301] {strides = array<i32>} : memref<128x128xf32, #tpu.memory_space<vmem>>, vector<1x16xf32>,
      %parallel_loop3A_303 = vector.shape_cast %parallel_loop3A_302 : vector<1x16xf32> to vector<16xf32>
      %parallel_loop3A_304 = arith.addf %parallel_loop3A_299, %parallel_loop3A_303 : vector<16xf32>
      %parallel_loop3A_305 = arith.index_cast %parallel_loop3A_192 : i32 to index
      %parallel_loop3A_306 = arith.constant 96 : index
      %parallel_loop3A_307 = tpu.vector_load %arg15[%parallel_loop3A_305, %parallel_loop3A_306] {strides = array<i32>} : memref<128x128xf32, #tpu.memory_space<vmem>>, vector<1x16xf32>,
      %parallel_loop3A_308 = vector.shape_cast %parallel_loop3A_307 : vector<1x16xf32> to vector<16xf32>
      %parallel_loop3A_309 = arith.subf %parallel_loop3A_304, %parallel_loop3A_308 : vector<16xf32>
      %parallel_loop3A_310 = arith.mulf %parallel_loop3A_309, %parallel_loop3A_309 : vector<16xf32>
      %parallel_loop3A_311 = arith.addf %parallel_loop3A_295, %parallel_loop3A_310 : vector<16xf32>
      %parallel_loop3A_312 = arith.index_cast %parallel_loop3A_192 : i32 to index
      %parallel_loop3A_313 = arith.constant 112 : index
      %parallel_loop3A_314 = tpu.vector_load %arg13[%parallel_loop3A_312, %parallel_loop3A_313] {strides = array<i32>} : memref<128x128xf32, #tpu.memory_space<vmem>>, vector<1x16xf32>,
      %parallel_loop3A_315 = vector.shape_cast %parallel_loop3A_314 : vector<1x16xf32> to vector<16xf32>
      %parallel_loop3A_316 = arith.index_cast %parallel_loop3A_192 : i32 to index
      %parallel_loop3A_317 = arith.constant 112 : index
      %parallel_loop3A_318 = tpu.vector_load %arg14[%parallel_loop3A_316, %parallel_loop3A_317] {strides = array<i32>} : memref<128x128xf32, #tpu.memory_space<vmem>>, vector<1x16xf32>,
      %parallel_loop3A_319 = vector.shape_cast %parallel_loop3A_318 : vector<1x16xf32> to vector<16xf32>
      %parallel_loop3A_320 = arith.addf %parallel_loop3A_315, %parallel_loop3A_319 : vector<16xf32>
      %parallel_loop3A_321 = arith.index_cast %parallel_loop3A_192 : i32 to index
      %parallel_loop3A_322 = arith.constant 112 : index
      %parallel_loop3A_323 = tpu.vector_load %arg15[%parallel_loop3A_321, %parallel_loop3A_322] {strides = array<i32>} : memref<128x128xf32, #tpu.memory_space<vmem>>, vector<1x16xf32>,
      %parallel_loop3A_324 = vector.shape_cast %parallel_loop3A_323 : vector<1x16xf32> to vector<16xf32>
      %parallel_loop3A_325 = arith.subf %parallel_loop3A_320, %parallel_loop3A_324 : vector<16xf32>
      %parallel_loop3A_326 = arith.mulf %parallel_loop3A_325, %parallel_loop3A_325 : vector<16xf32>
      %parallel_loop3A_327 = arith.addf %parallel_loop3A_311, %parallel_loop3A_326 : vector<16xf32>
      %parallel_loop3A_328 = arith.mulf %parallel_loop3A_327, %parallel_loop3A_197 : vector<16xf32>
      %parallel_loop3A_329 = arith.addf %parallel_loop3A_193, %parallel_loop3A_328 : vector<16xf32>
      scf.yield %parallel_loop3A_329 : vector<16xf32>
    } {sc.loop_unroll_factor = 8 : i64, sc.parallel_access}
    %swap3A = arith.constant 0 : index
    %swap3A_189 = tpu.vector_load %arg16[%swap3A] {strides = array<i32>} : memref<16xf32, #tpu.memory_space<vmem>>, vector<16xf32>,
    %swap3A_190 = vector.shape_cast %swap3A_189 : vector<16xf32> to vector<16xf32>
    %swap3A_191 = vector.shape_cast %parallel_loop3A_188 : vector<16xf32> to vector<16xf32>
    tpu.vector_store %arg16[%swap3A], %swap3A_191 {strides = array<i32>} : memref<16xf32, #tpu.memory_space<vmem>>, vector<16xf32>,
    "tpu.region"() ({
      %run_scoped3A = tpu.sem_alloc : memref<!tpu.dma_semaphore, #tpu.memory_space<semaphore_mem>>
      %dma_start3A_192 = arith.constant 0 : i32
      %dma_start3A_193 = tpu.memref_slice %arg8[%add3A, %dma_start3A_192] : memref<32x16xf32, #tpu.memory_space<hbm>> -> memref<1x16xf32, #tpu.memory_space<hbm>>
      %dma_start3A_194 = tpu.memref_squeeze %dma_start3A_193 : memref<1x16xf32, #tpu.memory_space<hbm>> -> memref<16xf32, #tpu.memory_space<hbm>>
      %dma_start3A_195 = arith.constant 0 : i32
      %dma_start3A_196 = tpu.memref_slice %arg8[%add3A, %dma_start3A_195] : memref<32x16xf32, #tpu.memory_space<hbm>> -> memref<1x16xf32, #tpu.memory_space<hbm>>
      %dma_start3A_197 = tpu.memref_squeeze %dma_start3A_196 : memref<1x16xf32, #tpu.memory_space<hbm>> -> memref<16xf32, #tpu.memory_space<hbm>>
      tpu.enqueue_dma source(%arg16 : memref<16xf32, #tpu.memory_space<vmem>>) target(%dma_start3A_197 : memref<16xf32, #tpu.memory_space<hbm>>) target_semaphore(%run_scoped3A : memref<!tpu.dma_semaphore, #tpu.memory_space<semaphore_mem>>)
      %dma_wait3A_198 = arith.constant 0 : i32
      %dma_wait3A_199 = tpu.memref_slice %arg8[%add3A, %dma_wait3A_198] : memref<32x16xf32, #tpu.memory_space<hbm>> -> memref<1x16xf32, #tpu.memory_space<hbm>>
      %dma_wait3A_200 = tpu.memref_squeeze %dma_wait3A_199 : memref<1x16xf32, #tpu.memory_space<hbm>> -> memref<16xf32, #tpu.memory_space<hbm>>
      %dma_wait3A_201 = arith.constant 0 : i32
      %dma_wait3A_202 = tpu.memref_slice %arg8[%add3A, %dma_wait3A_201] : memref<32x16xf32, #tpu.memory_space<hbm>> -> memref<1x16xf32, #tpu.memory_space<hbm>>
      %dma_wait3A_203 = tpu.memref_squeeze %dma_wait3A_202 : memref<1x16xf32, #tpu.memory_space<hbm>> -> memref<16xf32, #tpu.memory_space<hbm>>
      tpu.wait_dma2 semaphore(%run_scoped3A : memref<!tpu.dma_semaphore, #tpu.memory_space<semaphore_mem>>) src(%arg16 : memref<16xf32, #tpu.memory_space<vmem>>) dst(%dma_wait3A_203 : memref<16xf32, #tpu.memory_space<hbm>>)
      tpu.yield
    }) : () -> ()
    return
  }
}

</mosaic_0001>

<sc_bundles>
// kernel: kernel.3.cloned.1.call-start
scs
__scs_entry_jumppad:
0x0: {  	(pc) =	sbr.rel $0x88, $3  }
0x1: {  	(tag) =	ssettag $0x0;
	lr =	simm.s32 $0x1  }
0x2: {  	[smem:$0x3F9B] =	sst lr;
	_ =	strace $0xD0000000  }
0x3: {  	_ = 	snop  }
0x4: {  	_ = 	snop  }
0x5: {  	_ = 	snop  }
0x6: {  	_ = 	snop  }
0x7: {  	_ = 	snop  }
__scs_overlays_trampoline_lowered:
0x8: {  	[smem:$0x3FAA] =	sst s0  }
0x9: {  	[smem:$0x3FAB] =	sst s1  }
0xa: {  	[smem:$0x3FAC] =	sst s2  }
0xb: {  	[smem:$0x3FAD] =	sst s3  }
0xc: {  	[smem:$0x3FAE] =	sst s4  }
0xd: {  	[smem:$0x3FAF] =	sst s5  }
0xe: {  	[smem:$0x3FB0] =	sst s6  }
0xf: {  	[smem:$0x3FB1] =	sst s7  }
0x10: {  	[smem:$0x3FB2] =	sst s8  }
0x11: {  	[smem:$0x3FB3] =	sst s9;
	s0 =	simm.s32 @!p0 $0x0  }
0x12: {  	s1 =	sld [smem:$0x3F99];
	s0 =	simm.s32 @p0 $0x1  }
0x13: {  	[smem:$0x3FB4] =	sst s0;
	s0 =	simm.s32 @!p1 $0x0  }
0x14: {  	s2 =	sld [smem:$0x3F98];
	s0 =	simm.s32 @p1 $0x1  }
0x15: {  	[smem:$0x3FB5] =	sst s0;
	s0 =	simm.s32 @!p2 $0x0  }
0x16: {  	s3 =	sld [smem:$0x3FDB];
	s0 =	simm.s32 @p2 $0x1  }
0x17: {  	s4 =	simm.s32 $0x1BF5;
	[smem:$0x3FB7] =	sst s0  }
0x18: {  	s0 =	sld [smem:$0x3F9A];
	_ =	swait.ge [sflag:s4], $0x0  }
0x19: {  	s7 =	sld [smem:$0x3F9B]  }
0x1a: {  	s8 =	sadd.s32 $0xFFFFE003, lr  }
0x1b: {  	s9 =	sadd.s32 $0xFFFFFEF7, lr;
	s5 =	simm.s32 $0xFFFFFFFF;
	p2 =	slt.u32 s8, $0xFFFFF086  }
0x1c: {  	p1 =	slt.u32 s9, $0xF7A;
	s5 =	simm.s32 @!p2 $0x0  }
0x1d: {  	s5 =	simm.s32 @p1 $0x1;
	p0 =	seq.s32 s7, s2  }
0x1e: {  	s7 =	smul.u32 @!p0 $0xF7A, s2;
	p2 =	seq.s32 @!p0 s5, $0x0  }
0x1f: {  	s9 =	smul.u32 $0xF7A, s1;
	s8 =	simm.s32 @!p0 $0x1BF5;
	p2 =	por !p2, p0  }
0x20: {  	[sflag:s8] =	ssyncset.s32 @!p0 $0xFFFFF086;
	s6 =	sadd.s32 @!p0 s3, s7;
	s7 =	simm.s32 @!p0 $0x108  }
0x21: {  	s3 =	sadd.s32 s3, s9;
	s6 =	sadd.s32 @!p0 $0x88, s6;
	s7 =	simm.s32 @p2 $0x1082  }
0x22: {  	[simem:s7], [sflag:s8] =	dma.local @!p0 [hbm:s6], $0xF7A  }
0x23: {  	s9 =	sor.u32 $0xD0000000, s2;
	s6 =	simm.s32 $0x108;
	_ =	swait.ge @!p0 [sflag:s8], $0x0  }
0x24: {  	s3 =	sadd.s32 $0x88, s3;
	s6 =	simm.s32 @!p1 $0x1082;
	[sflag:s4] =	ssyncset.s32 $0xFFFFF086  }
0x25: {  	[simem:s6], [sflag:s4] =	dma.local [hbm:s3], $0xF7A  }
0x26: {  	[smem:$0x3F9B] =	sst s1;
	(tag) =	ssettag s2;
	_ =	strace s9  }
0x27: {  	s1 =	sld [smem:$0x3FAB]  }
0x28: {  	s2 =	sld [smem:$0x3FAC]  }
0x29: {  	s4 =	sld [smem:$0x3FAE]  }
0x2a: {  	p0 =	seq.s32 s5, $0x0;
	s5 =	sld [smem:$0x3FAF]  }
0x2b: {  	s6 =	sld [smem:$0x3FB0]  }
0x2c: {  	s7 =	sld [smem:$0x3FB1]  }
0x2d: {  	s3 =	simm.s32 $0x108;
	s8 =	sld [smem:$0x3FB2]  }
0x2e: {  	s3 =	simm.s32 @!p0 $0x1082;
	s9 =	sld [smem:$0x3FB3]  }
0x2f: {  	lr =	sadd.s32 s0, s3;
	s0 =	sld [smem:$0x3FAA]  }
0x30: {  	s3 =	sld [smem:$0x3FAD]  }
0x31: {  	[smem:$0x3FB6] =	sst s10  }
0x32: {  	s10 =	sld [smem:$0x3FB4];
	_ =	sdelay $0x3  }
0x33: {  	p0 =	seq.s32 s10, $0x1;
	s10 =	sld [smem:$0x3FB6];
	_ =	sdelay $0x3  }
0x34: {  	[smem:$0x3FB6] =	sst s10  }
0x35: {  	s10 =	sld [smem:$0x3FB5];
	_ =	sdelay $0x3  }
0x36: {  	p1 =	seq.s32 s10, $0x1;
	s10 =	sld [smem:$0x3FB6];
	_ =	sdelay $0x3  }
0x37: {  	[smem:$0x3FB6] =	sst s10  }
0x38: {  	s10 =	sld [smem:$0x3FB7]  }
0x39: {  	_ = 	snop;
	(pc) =	sbr.ind lr, $3  }
0x3a: {  	_ = 	snop  }
0x3b: {  	_ = 	snop  }
0x3c: {  	p2 =	seq.s32 s10, $0x1;
	s10 =	sld [smem:$0x3FB6]  }
0x3d: {  	_ =	shalt  }
0x3e: {  	_ =	shalt  }
0x3f: {  	_ =	shalt  }
0x40: {  	_ =	shalt  }
0x41: {  	_ =	shalt  }
0x42: {  	_ =	shalt  }
0x43: {  	_ =	shalt  }
0x44: {  	_ =	shalt  }
0x45: {  	_ =	shalt  }
0x46: {  	_ =	shalt  }
0x47: {  	_ =	shalt  }
0x48: {  	_ =	shalt  }
0x49: {  	_ =	shalt  }
0x4a: {  	_ =	shalt  }
0x4b: {  	_ =	shalt  }
0x4c: {  	_ =	shalt  }
0x4d: {  	_ =	shalt  }
0x4e: {  	_ =	shalt  }
0x4f: {  	_ =	shalt  }
0x50: {  	_ =	shalt  }
0x51: {  	_ =	shalt  }
0x52: {  	_ =	shalt  }
0x53: {  	_ =	shalt  }
0x54: {  	_ =	shalt  }
0x55: {  	_ =	shalt  }
0x56: {  	_ =	shalt  }
0x57: {  	_ =	shalt  }
0x58: {  	_ =	shalt  }
0x59: {  	_ =	shalt  }
0x5a: {  	_ =	shalt  }
0x5b: {  	_ =	shalt  }
0x5c: {  	_ =	shalt  }
0x5d: {  	_ =	shalt  }
0x5e: {  	_ =	shalt  }
0x5f: {  	_ =	shalt  }
0x60: {  	_ =	shalt  }
0x61: {  	_ =	shalt  }
0x62: {  	_ =	shalt  }
0x63: {  	_ =	shalt  }
0x64: {  	_ =	shalt  }
0x65: {  	_ =	shalt  }
0x66: {  	_ =	shalt  }
0x67: {  	_ =	shalt  }
0x68: {  	_ =	shalt  }
0x69: {  	_ =	shalt  }
0x6a: {  	_ =	shalt  }
0x6b: {  	_ =	shalt  }
0x6c: {  	_ =	shalt  }
0x6d: {  	_ =	shalt  }
0x6e: {  	_ =	shalt  }
0x6f: {  	_ =	shalt  }
0x70: {  	_ =	shalt  }
0x71: {  	_ =	shalt  }
0x72: {  	_ =	shalt  }
0x73: {  	_ =	shalt  }
0x74: {  	_ =	shalt  }
0x75: {  	_ =	shalt  }
0x76: {  	_ =	shalt  }
0x77: {  	_ =	shalt  }
0x78: {  	_ =	shalt  }
0x79: {  	_ =	shalt  }
0x7a: {  	_ =	shalt  }
0x7b: {  	_ =	shalt  }
0x7c: {  	_ =	shalt  }
0x7d: {  	_ =	shalt  }
0x7e: {  	_ =	shalt  }
0x7f: {  	_ =	shalt  }
0x80: {  	_ =	shalt  }
0x81: {  	_ =	shalt  }
0x82: {  	_ =	shalt  }
0x83: {  	_ =	shalt  }
0x84: {  	_ =	shalt  }
0x85: {  	_ =	shalt  }
0x86: {  	_ =	shalt  }
0x87: {  	_ =	shalt  }
.Lfunc_end0:
.L_simem_size_0:
called_computation_lowered:
.L_overlay_start_0:
0x88: {  	s2 =	sld [smem:$0x3FD9]  }
0x89: {  	s3 =	sld [smem:$0x3FFE];
	_ =	sdelay $0x1  }
0x8a: {  	s1 =	srdreg.scid  }
0x8b: {  	s0 =	sand.u32 $0x1, s1  }
0x8c: {  	s17 =	sshll.u32 s0, $0xA;
	s2 =	sadd.s32 s3, s2  }
0x8d: {  	s2 =	sadd.s32 s2, s17  }
0x8e: {  	[smem:$0x3FC2] =	sst s2  }
0x8f: {  	_ = 	snop  }
0x90: {  	s2 =	sld [smem:$0x3FC9]  }
0x91: {  	s18 =	sld [smem:$0x3FC8]  }
0x92: {  	s4 =	sld [smem:$0x3FC7]  }
0x93: {  	s5 =	sld [smem:$0x3FC5]  }
0x94: {  	s6 =	sld [smem:$0x3FC4];
	(tm) =	ssettm $0x1  }
0x95: {  	s7 =	sld [smem:$0x3FFB];
	_ =	sdelay $0x3  }
0x96: {  	_ =	strace s7  }
0x97: {  	s7 =	sld [smem:$0x3FFC];
	_ =	sdelay $0x3  }
0x98: {  	_ =	strace s7  }
0x99: {  	s7 =	sld [smem:$0x3FFD];
	_ =	sdelay $0x3  }
0x9a: {  	_ =	strace s7  }
0x9b: {  	_ =	strace $0x8FFFFFFF  }
0x9c: {  	s19 =	sld [smem:$0x3FDB];
	_ =	sdelay $0x1  }
0x9d: {  	s8 =	simm.s32 $_scs_section_size  }
0x9e: {  	s9 =	simm.s32 $_size__tile_overlayer_lowered;
	s10 =	simm.s32 $_tile_overlayer_lowered  }
0x9f: {  	s22 =	simm.s32 $0x1BFF;
	s21 =	sshll.u32 s10, $0x1;
	s7 =	sadd.s32 s8, s19  }
0xa0: {  	s11 =	simm.s32 $0x0;
	s20 =	sshll.u32 s9, $0x1;
	s9 =	sadd.s32 s21, s7  }
0xa1: {  	[timem:s11], [sflag:s22] =	dma.local [hbm:s9], s20  }
0xa2: {  	_ =	swait.ge [sflag:s22], s20  }
0xa3: {  	s8 =	ssub.s32 $0x0, s20;
	[sflag:s22] =	ssyncset.done $0x0  }
0xa4: {  	[sflag:s22] =	ssyncadd.s32 s8;
	_ =	sdelay $0x1  }
0xa5: {  	s23 =	simm.s32 $0x1B8B  }
0xa6: {  	_ =	swait.ge [sflag:s23], $0x1  }
0xa7: {  	[sflag:s23] =	ssyncset.done $0x0  }
0xa8: {  	s25 =	simm.s32 $0x1B8E;
	s24 =	sld [smem:$0x3FFE];
	[sflag:s23] =	ssyncadd.s32 $0xFFFFFFFF  }
0xa9: {  	s26 =	simm.s32 $execute0_lowered;
	[smem:$0x3FD2] =	sst s25  }
0xaa: {  	s9 =	sshll.u32 s26, $0x1;
	_ =	strace $0x80000046;
	[dreg:$0x1] =	wrdreg $0xFFFFFFFF  }
0xab: {  	s28 =	simm.s32 $_size_execute0_lowered;
	s7 =	sadd.s32 s7, s9;
	[dreg:$0x0] =	wrdreg $0x0  }
0xac: {  	s9 =	sshll.u32 s28, $0x1;
	[dreg:$0x2] =	wrdreg s7  }
0xad: {  	[dreg:$0x3] =	wrdreg s9  }
0xae: {  	[dreg:$0x4] =	wrdreg $0xC0  }
0xaf: {  	_ =	task [dreg:s11], $0x5FFFF  }
0xb0: {  	[dreg:$0x1] =	wrdreg $0xFFFFFFFF  }
0xb1: {  	[dreg:$0x0] =	wrdreg $0x60  }
0xb2: {  	[dreg:$0x2] =	wrdreg s2  }
0xb3: {  	[dreg:$0x3] =	wrdreg s18  }
0xb4: {  	[dreg:$0x4] =	wrdreg s4  }
0xb5: {  	[dreg:$0x5] =	wrdreg s24  }
0xb6: {  	[dreg:$0x6] =	wrdreg s5  }
0xb7: {  	[dreg:$0x7] =	wrdreg s6  }
0xb8: {  	[dreg:$0x8] =	wrdreg $0x9  }
0xb9: {  	_ =	task.clear_ibuf [dreg:s11], $0x9FFFF;
	_ =	strace $0x90000046  }
0xba: {  	s29 =	simm.s32 $0x9;
	_ =	strace $0x80000048  }
0xbb: {  	_ =	swait.ge [sflag:s29], $0x1  }
0xbc: {  	[sflag:s29] =	ssyncadd.s32 $0xFFFFFFFF  }
0xbd: {  	_ =	strace $0x90000048  }
0xbe: {  	_ =	sfence  }
0xbf: {  	s30 =	sld [smem:$0x0];
	_ =	sdelay $0x2  }
0xc0: {  	s31 =	sshll.u32 s1, $0xD;
	s1 =	sshrl.u32 s1, $0x2  }
0xc1: {  	s3 =	sand.u32 $0x4000, s31;
	s1 =	sadd.s32 s1, s30  }
0xc2: {  	s0 =	sor.u32 s3, s0;
	s1 =	sshll.u32 s1, $0x11  }
0xc3: {  	s0 =	sor.u32 s1, s0  }
0xc4: {  	s0 =	sadd.s32 $0x8F2B, s0  }
0xc5: {  	[sflag:s0] =	ssyncadd.remote.s32 $0x1  }
0xc6: {  	_ =	sfence.sel $0xFFFF  }
0xc7: {  	[dreg:$0x0] =	wrdreg $0xFFFFFFFF;
	(pc) =	sbr.abs _section_cstart, $3  }
0xc8: {  	[dreg:$0x1] =	wrdreg $0xFFFFFFFF  }
0xc9: {  	_ =	task.clear_ibuf [dreg:s11], $0x2FFFF;
	_ =	strace $0x9FFFFFFF  }
0xca: {  	(tm) =	ssettm $0x7FFFFFFF  }
0xcb: {  	_ =	shalt  }
tec
execute0_lowered:
.L_overlay_start_1:
0x0: {  	(tag) =	ssettag $0x1  }
0x1: {  	s0 =	rddreg [dreg:$0x0]  }
0x2: {  	s1 =	rddreg [dreg:$0x1]  }
0x3: {  	s10 =	rddreg [dreg:$0x2]  }
0x4: {  	s11 =	rddreg [dreg:$0x3]  }
0x5: {  	s2 =	rddreg [dreg:$0x4]  }
0x6: {  	s3 =	rddreg [dreg:$0x5]  }
0x7: {  	s5 =	srdreg.scid;
	s6 =	stileid.u32  }
0x8: {  	s4 =	simm.s32 $0x0;
	s16 =	simm.s32 $0x40;
	s17 =	simm.s32 $0xC0  }
0x9: {  	s18 =	simm.s32 $0x140;
	s20 =	simm.s32 $0x2;
	s23 =	simm.s32 $0xC180  }
0xa: {  	s24 =	simm.s32 $0x3;
	s28 =	simm.s32 $0xE180;
	s29 =	simm.s32 $0x1  }
0xb: {  	s30 =	simm.s32 $0x4;
	s31 =	simm.s32 $0x5;
	s19 =	simm.s32 $0x0  }
0xc: {  	s5 =	sand.u32 $0x1, s5;
	s6 =	sshll.u32 s6, $0x1;
	[smem:$0x7FF] =	sst s4  }
0xd: {  	s12 =	sor.u32 s5, s6;
	s5 =	ssub.s32 $0x2, s5;
	_ =	strace $0x80000047  }
0xe: {  	s8 =	sshll.u32 s12, $0x4;
	s25 =	sshrl.u32 s5, $0x1;
	s26 =	sshll.u32 s12, $0xB  }
0xf: {  	s13 =	sadd.s32 s8, s11;
	s14 =	ssub.s32 s5, s25;
	s5 =	sadd.s32 s0, s8  }
0x10: {  	s6 =	sadd.s32 s1, s8;
	s7 =	sadd.s32 s10, s8;
	s15 =	sor.u32 $0x8, s8  }
0x11: {  	s11 =	sadd.s32 s11, s26;
	s25 =	simm.s32 $0x6180;
	s26 =	simm.s32 $0xA180  }
0x12: {  	s8 =	sadd.s32 s0, s15;
	s9 =	sadd.s32 s1, s15;
	s10 =	sadd.s32 s10, s15  }
0x13: {  	s12 =	sadd.s32 $0x10000, s13;
	s13 =	smax.u32 s14, $0x1;
	s14 =	simm.s32 $0x80  }
0x14: {  	s15 =	simm.s32 $0x100;
	s0 =	simm.s32 $0x10180;
	s1 =	simm.s32 $0x6  }
.LBB2_1:
0x15: {  	[tilespmem:s4], [sflag:$0x2] =	stream.linear.gather [hbm4b:s5+s4], $0x40, $0x38;
	[tilespmem:$0x10200] =	vst v63  }
0x16: {  	_ = 	snop  }
0x17: {  	[tilespmem:s14], [sflag:$0x2] =	stream.linear.gather [hbm4b:s6+s4], $0x40, $0x38;
	[tilespmem:$0x10200] =	vst v63  }
0x18: {  	_ = 	snop  }
0x19: {  	[tilespmem:s15], [sflag:$0x2] =	stream.linear.gather [hbm4b:s7+s4], $0x40, $0x38;
	[tilespmem:$0x10200] =	vst v63  }
0x1a: {  	_ = 	snop  }
0x1b: {  	[tilespmem:s16], [sflag:$0x3] =	stream.linear.gather [hbm4b:s8+s4], $0x40, $0x38;
	[tilespmem:$0x10200] =	vst v63  }
0x1c: {  	_ = 	snop  }
0x1d: {  	[tilespmem:s17], [sflag:$0x3] =	stream.linear.gather [hbm4b:s9+s4], $0x40, $0x38;
	[tilespmem:$0x10200] =	vst v63  }
0x1e: {  	_ = 	snop  }
0x1f: {  	[tilespmem:s18], [sflag:$0x3] =	stream.linear.gather [hbm4b:s10+s4], $0x40, $0x38;
	[tilespmem:$0x10200] =	vst v63  }
0x20: {  	s21 =	simm.s32 $0x180  }
0x21: {  	[tilespmem:s21], [sflag:$0x1] =	stream.linear.gather [hbm4b:s11+s4], $0x4000, $0x38;
	[tilespmem:$0x10200] =	vst v63  }
0x22: {  	_ =	swait.ge [sflag:s20], $0x40  }
0x23: {  	[sflag:s20] =	ssyncset.done $0x0  }
0x24: {  	[sflag:s20] =	ssyncadd.s32 $0xFFFFFFC0  }
0x25: {  	_ =	swait.ge [sflag:s20], $0x40  }
0x26: {  	[sflag:s20] =	ssyncset.done $0x0  }
0x27: {  	[sflag:s20] =	ssyncadd.s32 $0xFFFFFFC0  }
0x28: {  	_ =	swait.ge [sflag:s20], $0x40  }
0x29: {  	[sflag:s20] =	ssyncset.done $0x0  }
0x2a: {  	s22 =	simm.s32 $0x4180;
	[sflag:s20] =	ssyncadd.s32 $0xFFFFFFC0  }
0x2b: {  	[tilespmem:s22], [sflag:$0x4] =	stream.indirect.gather [hbm4b:s2+s16], $0x80, s4, s16, $0xb8;
	[tilespmem:$0x10200] =	vst v63  }
0x2c: {  	s22 =	simm.s32 $0x8180  }
0x2d: {  	[tilespmem:s22], [sflag:$0x4] =	stream.indirect.gather [hbm4b:s3+s16], $0x80, s14, s16, $0xb8;
	[tilespmem:$0x10200] =	vst v63  }
0x2e: {  	_ = 	snop  }
0x2f: {  	[tilespmem:s23], [sflag:$0x4] =	stream.indirect.gather [hbm4b:s2+s16], $0x80, s15, s16, $0xb8;
	[tilespmem:$0x10200] =	vst v63  }
0x30: {  	_ =	swait.ge [sflag:s24], $0x40  }
0x31: {  	[sflag:s24] =	ssyncset.done $0x0  }
0x32: {  	[sflag:s24] =	ssyncadd.s32 $0xFFFFFFC0  }
0x33: {  	_ =	swait.ge [sflag:s24], $0x40  }
0x34: {  	[sflag:s24] =	ssyncset.done $0x0  }
0x35: {  	[sflag:s24] =	ssyncadd.s32 $0xFFFFFFC0  }
0x36: {  	_ =	swait.ge [sflag:s24], $0x40  }
0x37: {  	[sflag:s24] =	ssyncset.done $0x0  }
0x38: {  	[sflag:s24] =	ssyncadd.s32 $0xFFFFFFC0  }
0x39: {  	[tilespmem:s25], [sflag:$0x5] =	stream.indirect.gather [hbm4b:s2+s16], $0x80, s16, s16, $0xb8;
	[tilespmem:$0x10200] =	vst v63  }
0x3a: {  	_ = 	snop  }
0x3b: {  	[tilespmem:s26], [sflag:$0x5] =	stream.indirect.gather [hbm4b:s3+s16], $0x80, s17, s16, $0xb8;
	[tilespmem:$0x10200] =	vst v63  }
0x3c: {  	_ = 	snop  }
0x3d: {  	[tilespmem:s28], [sflag:$0x5] =	stream.indirect.gather [hbm4b:s2+s16], $0x80, s18, s16, $0xb8;
	[tilespmem:$0x10200] =	vst v63  }
0x3e: {  	_ =	swait.ge [sflag:s29], $0x4000  }
0x3f: {  	[sflag:s29] =	ssyncset.done $0x0  }
0x40: {  	[sflag:s29] =	ssyncadd.s32 $0xFFFFC000  }
0x41: {  	_ =	swait.ge [sflag:s30], $0x2000  }
0x42: {  	[sflag:s30] =	ssyncset.done $0x0  }
0x43: {  	[sflag:s30] =	ssyncadd.s32 $0xFFFFE000  }
0x44: {  	_ =	swait.ge [sflag:s30], $0x2000  }
0x45: {  	[sflag:s30] =	ssyncset.done $0x0  }
0x46: {  	[sflag:s30] =	ssyncadd.s32 $0xFFFFE000  }
0x47: {  	_ =	swait.ge [sflag:s30], $0x2000  }
0x48: {  	[sflag:s30] =	ssyncset.done $0x0  }
0x49: {  	s22 =	simm.s32 $0x0;
	[sflag:s30] =	ssyncadd.s32 $0xFFFFE000  }
0x4a: {  	v0 =	vld [tilespmem:s22+$0x41F0]  }
0x4b: {  	v2 =	vld [tilespmem:s22+$0x41E0]  }
0x4c: {  	v1 =	vld [tilespmem:s22+$0x41D0]  }
0x4d: {  	v3 =	vld [tilespmem:s22+$0x41C0]  }
0x4e: {  	v4 =	vld [tilespmem:s22+$0x41B0]  }
0x4f: {  	v5 =	vld [tilespmem:s22+$0xC180]  }
0x50: {  	v6 =	vld [tilespmem:s22+$0x41A0]  }
0x51: {  	v7 =	vld [tilespmem:s22+$0x4180]  }
0x52: {  	v8 =	vld [tilespmem:s22+$0x8180]  }
0x53: {  	v9 =	vld [tilespmem:s22+$0x4190]  }
0x54: {  	v10 =	vld [tilespmem:s22+$0x8190]  }
0x55: {  	v11 =	vld [tilespmem:s22+$0x81A0]  }
0x56: {  	v12 =	vld [tilespmem:s22+$0xC190]  }
0x57: {  	v13 =	vld [tilespmem:s22+$0x81B0]  }
0x58: {  	v14 =	vld [tilespmem:s22+$0xC1A0]  }
0x59: {  	v15 =	vld [tilespmem:s22+$0x81C0];
	v7 =	vadd.f32 v8, v7;
	v8 =	vadd.f32 v10, v9  }
0x5a: {  	v9 =	vld [tilespmem:s22+$0xC1B0];
	v6 =	vadd.f32 v11, v6  }
0x5b: {  	v10 =	vld [tilespmem:s22+$0x81D0];
	v5 =	vsub.f32 v7, v5;
	v7 =	vsub.f32 v8, v12  }
0x5c: {  	v4 =	vadd.f32 v13, v4;
	v8 =	vld [tilespmem:s22+$0xC1C0]  }
0x5d: {  	v6 =	vsub.f32 v6, v14;
	v12 =	vld [tilespmem:s22+$0xC1D0];
	v5 =	vmul.f32 v5, v5;
	v7 =	vmul.f32 v7, v7  }
0x5e: {  	v11 =	vld [tilespmem:s22+$0x81E0];
	v3 =	vadd.f32 v15, v3  }
0x5f: {  	v13 =	vld [tilespmem:s22+$0x81F0];
	v6 =	vmul.f32 v6, v6;
	v4 =	vsub.f32 v4, v9;
	v5 =	vadd.f32 v7, v5  }
0x60: {  	v9 =	vadd.f32 v10, v1;
	v7 =	vld [tilespmem:s22+$0xC1E0]  }
0x61: {  	v1 =	vld [tilespmem:s22+$0x180];
	v4 =	vmul.f32 v4, v4;
	v3 =	vsub.f32 v3, v8;
	v5 =	vadd.f32 v6, v5  }
0x62: {  	s21 =	simm.s32 $0x80;
	v8 =	vld [tilespmem:s22+$0xC1F0];
	v9 =	vsub.f32 v9, v12  }
0x63: {  	v6 =	vadd.f32 v11, v2;
	v2 =	vld [tilespmem:s21+$0x41F0];
	v10 =	vmul.f32 v3, v3;
	v5 =	vadd.f32 v4, v5  }
0x64: {  	v0 =	vadd.f32 v13, v0;
	v11 =	vld [tilespmem:s21+$0x8180]  }
0x65: {  	v3 =	vld [tilespmem:s21+$0x41E0];
	v9 =	vmul.f32 v9, v9;
	v5 =	vadd.f32 v10, v5;
	v10 =	vsub.f32 v6, v7  }
0x66: {  	v4 =	vld [tilespmem:s21+$0x41D0]  }
0x67: {  	v6 =	vld [tilespmem:s21+$0x41C0];
	v0 =	vsub.f32 v0, v8;
	v5 =	vadd.f32 v9, v5;
	v10 =	vmul.f32 v10, v10  }
0x68: {  	v7 =	vld [tilespmem:s21+$0x41B0]  }
0x69: {  	v8 =	vld [tilespmem:s21+$0xC180];
	v12 =	vmul.f32 v0, v0;
	v5 =	vadd.f32 v10, v5  }
0x6a: {  	v9 =	vld [tilespmem:s21+$0x41A0]  }
0x6b: {  	v10 =	vld [tilespmem:s21+$0x4180];
	v5 =	vadd.f32 v12, v5  }
0x6c: {  	s22 =	simm.s32 $0x400;
	v0 =	vimm.f32 $0.0e+00;
	v12 =	vld [tilespmem:s21+$0x4190]  }
.LBB2_2:
0x6d: {  	p0 =	sne.s32 s22, $0x7E00;
	v13 =	vld [tilespmem:s21+$0x8190];
	v1 =	vmul.f32 v5, v1  }
0x6e: {  	v5 =	vld [tilespmem:s21+$0x81A0]  }
0x6f: {  	v14 =	vld [tilespmem:s21+$0xC190];
	v0 =	vadd.f32 v1, v0  }
0x70: {  	v1 =	vld [tilespmem:s21+$0x81B0]  }
0x71: {  	v15 =	vld [tilespmem:s21+$0xC1A0]  }
0x72: {  	v10 =	vadd.f32 v11, v10;
	v11 =	vadd.f32 v13, v12;
	v12 =	vld [tilespmem:s21+$0x81C0]  }
0x73: {  	v5 =	vadd.f32 v5, v9;
	v9 =	vld [tilespmem:s21+$0xC1B0]  }
0x74: {  	v8 =	vsub.f32 v10, v8;
	v10 =	vsub.f32 v11, v14;
	v11 =	vld [tilespmem:s21+$0x81D0]  }
0x75: {  	v1 =	vadd.f32 v1, v7;
	v7 =	vld [tilespmem:s21+$0xC1C0]  }
0x76: {  	v8 =	vmul.f32 v8, v8;
	v10 =	vmul.f32 v10, v10;
	v5 =	vsub.f32 v5, v15;
	v13 =	vld [tilespmem:s21+$0x81E0]  }
0x77: {  	v6 =	vadd.f32 v12, v6;
	v12 =	vld [tilespmem:s21+$0xC1D0]  }
0x78: {  	v8 =	vadd.f32 v10, v8;
	v5 =	vmul.f32 v5, v5;
	v9 =	vsub.f32 v1, v9;
	v10 =	vld [tilespmem:s21+$0x81F0]  }
0x79: {  	v4 =	vadd.f32 v11, v4;
	v11 =	vld [tilespmem:s21+$0xC1E0]  }
0x7a: {  	v1 =	vld [tilespmem:s21+$0x180];
	v5 =	vadd.f32 v5, v8;
	v8 =	vmul.f32 v9, v9;
	v6 =	vsub.f32 v6, v7  }
0x7b: {  	v7 =	vadd.f32 v13, v3;
	v9 =	vld [tilespmem:s21+$0xC1F0];
	s21 =	sshra.s32 s22, $0x2  }
0x7c: {  	v13 =	vld [tilespmem:s21+$0x41F0];
	v5 =	vadd.f32 v8, v5;
	v6 =	vmul.f32 v6, v6;
	v8 =	vsub.f32 v4, v12  }
0x7d: {  	v3 =	vld [tilespmem:s21+$0x41E0];
	v2 =	vadd.f32 v10, v2  }
0x7e: {  	v4 =	vld [tilespmem:s21+$0x41D0];
	v5 =	vadd.f32 v6, v5;
	v8 =	vmul.f32 v8, v8;
	v10 =	vsub.f32 v7, v11  }
0x7f: {  	v6 =	vld [tilespmem:s21+$0x41C0]  }
0x80: {  	v7 =	vld [tilespmem:s21+$0x41B0];
	v5 =	vadd.f32 v8, v5;
	v10 =	vmul.f32 v10, v10;
	v11 =	vsub.f32 v2, v9  }
.Ltmp0:
0x81: {  	v8 =	vld [tilespmem:s21+$0xC180];
	v2 =	vmov v13;
	(pc) =	sbr.rel @p0 .LBB2_2-.Ltmp0, $4  }
0x82: {  	v9 =	vld [tilespmem:s21+$0x41A0];
	v5 =	vadd.f32 v10, v5;
	v12 =	vmul.f32 v11, v11  }
0x83: {  	v10 =	vld [tilespmem:s21+$0x4180]  }
0x84: {  	v11 =	vld [tilespmem:s21+$0x8180];
	v5 =	vadd.f32 v12, v5  }
0x85: {  	s22 =	sadd.s32 $0x200, s22;
	v12 =	vld [tilespmem:s21+$0x4190]  }
0x86: {  	v13 =	vld [tilespmem:s21+$0x8190]  }
0x87: {  	v14 =	vld [tilespmem:s21+$0x81A0]  }
0x88: {  	v15 =	vld [tilespmem:s21+$0xC190]  }
0x89: {  	v16 =	vld [tilespmem:s21+$0x81B0]  }
0x8a: {  	v17 =	vld [tilespmem:s21+$0xC1A0]  }
0x8b: {  	v18 =	vld [tilespmem:s21+$0x81C0]  }
0x8c: {  	v19 =	vld [tilespmem:s21+$0xC1B0]  }
0x8d: {  	v20 =	vld [tilespmem:s21+$0x81D0]  }
0x8e: {  	v21 =	vld [tilespmem:s21+$0xC1C0]  }
0x8f: {  	v22 =	vld [tilespmem:s21+$0x81E0]  }
0x90: {  	v23 =	vld [tilespmem:s21+$0xC1D0]  }
0x91: {  	v24 =	vld [tilespmem:s21+$0x81F0]  }
0x92: {  	v25 =	vld [tilespmem:s21+$0xC1E0]  }
0x93: {  	v26 =	vld [tilespmem:s21+$0x180]  }
0x94: {  	v27 =	vld [tilespmem:s21+$0xC1F0];
	_ =	swait.ge [sflag:s31], $0x2000  }
0x95: {  	[sflag:s31] =	ssyncset.done $0x0  }
0x96: {  	[sflag:s31] =	ssyncadd.s32 $0xFFFFE000  }
0x97: {  	_ =	swait.ge [sflag:s31], $0x2000  }
0x98: {  	[sflag:s31] =	ssyncset.done $0x0  }
0x99: {  	[sflag:s31] =	ssyncadd.s32 $0xFFFFE000  }
0x9a: {  	_ =	swait.ge [sflag:s31], $0x2000  }
0x9b: {  	[sflag:s31] =	ssyncset.done $0x0  }
0x9c: {  	s22 =	simm.s32 $0x0;
	[sflag:s31] =	ssyncadd.s32 $0xFFFFE000  }
0x9d: {  	v28 =	vld [tilespmem:s22+$0x61F0]  }
0x9e: {  	v29 =	vld [tilespmem:s22+$0x61E0]  }
0x9f: {  	v30 =	vld [tilespmem:s22+$0x61D0]  }
0xa0: {  	v31 =	vld [tilespmem:s22+$0x61C0]  }
0xa1: {  	v32 =	vld [tilespmem:s22+$0x61B0]  }
0xa2: {  	v10 =	vadd.f32 v11, v10;
	v11 =	vadd.f32 v13, v12;
	v12 =	vld [tilespmem:s22+$0xE180]  }
0xa3: {  	v9 =	vadd.f32 v14, v9;
	v13 =	vld [tilespmem:s22+$0x61A0]  }
0xa4: {  	v8 =	vsub.f32 v10, v8;
	v10 =	vsub.f32 v11, v15;
	v11 =	vld [tilespmem:s22+$0x6180]  }
0xa5: {  	v7 =	vadd.f32 v16, v7;
	v14 =	vld [tilespmem:s22+$0xA180]  }
0xa6: {  	v8 =	vmul.f32 v8, v8;
	v9 =	vsub.f32 v9, v17;
	v10 =	vmul.f32 v10, v10;
	v15 =	vld [tilespmem:s22+$0x6190]  }
0xa7: {  	v6 =	vadd.f32 v18, v6;
	v59 =	vld [tilespmem:s22+$0xA190]  }
0xa8: {  	v7 =	vsub.f32 v7, v19;
	v9 =	vmul.f32 v9, v9;
	v8 =	vadd.f32 v10, v8;
	v10 =	vld [tilespmem:s22+$0xA1A0]  }
0xa9: {  	v4 =	vadd.f32 v20, v4;
	v3 =	vadd.f32 v22, v3;
	v60 =	vld [tilespmem:s22+$0xE190]  }
0xaa: {  	v2 =	vadd.f32 v24, v2;
	v7 =	vmul.f32 v7, v7;
	v8 =	vadd.f32 v9, v8;
	v9 =	vld [tilespmem:s22+$0xA1B0]  }
0xab: {  	v6 =	vsub.f32 v6, v21;
	v61 =	vld [tilespmem:s22+$0xE1A0];
	v11 =	vadd.f32 v14, v11  }
0xac: {  	v14 =	vadd.f32 v59, v15;
	v7 =	vadd.f32 v7, v8;
	v8 =	vld [tilespmem:s22+$0xA1C0]  }
0xad: {  	v4 =	vsub.f32 v4, v23;
	v6 =	vmul.f32 v6, v6;
	v15 =	vld [tilespmem:s22+$0xE1B0];
	v10 =	vadd.f32 v10, v13  }
0xae: {  	v13 =	vld [tilespmem:s22+$0xA1D0];
	v11 =	vsub.f32 v11, v12;
	v12 =	vsub.f32 v14, v60  }
0xaf: {  	v14 =	vld [tilespmem:s22+$0xE1C0];
	v6 =	vadd.f32 v6, v7;
	v7 =	vadd.f32 v9, v32  }
0xb0: {  	v9 =	vld [tilespmem:s22+$0xA1E0];
	v11 =	vmul.f32 v11, v11;
	v12 =	vmul.f32 v12, v12;
	v10 =	vsub.f32 v10, v61  }
0xb1: {  	v3 =	vsub.f32 v3, v25;
	v62 =	vld [tilespmem:s22+$0xE1D0];
	v4 =	vmul.f32 v4, v4;
	v8 =	vadd.f32 v8, v31  }
0xb2: {  	v63 =	vld [tilespmem:s22+$0xA1F0];
	v11 =	vadd.f32 v12, v11;
	v10 =	vmul.f32 v10, v10;
	v7 =	vsub.f32 v7, v15  }
0xb3: {  	v6 =	vadd.f32 v4, v6;
	v12 =	vld [tilespmem:s22+$0xE1E0];
	v13 =	vadd.f32 v13, v30  }
0xb4: {  	v4 =	vld [tilespmem:s22+$0x2180];
	v10 =	vadd.f32 v10, v11;
	v7 =	vmul.f32 v7, v7;
	v8 =	vsub.f32 v8, v14  }
0xb5: {  	s21 =	simm.s32 $0x80;
	v15 =	vmul.f32 v3, v3;
	v11 =	vld [tilespmem:s22+$0xE1F0];
	v14 =	vsub.f32 v2, v27;
	v9 =	vadd.f32 v9, v29  }
0xb6: {  	v3 =	vld [tilespmem:s21+$0x61E0];
	v7 =	vadd.f32 v7, v10;
	v8 =	vmul.f32 v8, v8;
	v10 =	vsub.f32 v13, v62  }
0xb7: {  	v2 =	vld [tilespmem:s21+$0x61F0];
	v13 =	vadd.f32 v15, v6;
	v14 =	vmul.f32 v14, v14;
	v15 =	vadd.f32 v63, v28  }
0xb8: {  	v6 =	vld [tilespmem:s21+$0x61D0];
	v9 =	vsub.f32 v9, v12;
	v8 =	vadd.f32 v8, v7;
	v10 =	vmul.f32 v10, v10  }
0xb9: {  	v12 =	vmul.f32 v5, v1;
	v1 =	vld [tilespmem:s21+$0x61B0];
	v13 =	vadd.f32 v14, v13  }
0xba: {  	v5 =	vld [tilespmem:s21+$0xE180];
	v11 =	vsub.f32 v15, v11;
	v8 =	vadd.f32 v10, v8;
	v10 =	vmul.f32 v9, v9  }
0xbb: {  	v7 =	vld [tilespmem:s21+$0x61C0];
	v0 =	vadd.f32 v12, v0  }
0xbc: {  	v9 =	vld [tilespmem:s21+$0x61A0];
	v12 =	vmul.f32 v13, v26;
	v13 =	vmul.f32 v11, v11;
	v8 =	vadd.f32 v10, v8  }
0xbd: {  	v11 =	vld [tilespmem:s21+$0xA180]  }
0xbe: {  	v10 =	vld [tilespmem:s21+$0x6180];
	v8 =	vadd.f32 v13, v8  }
0xbf: {  	s22 =	simm.s32 $0x400;
	v0 =	vadd.f32 v12, v0;
	v12 =	vld [tilespmem:s21+$0x6190]  }
.LBB2_4:
0xc0: {  	p0 =	sne.s32 s22, $0x7E00;
	v13 =	vld [tilespmem:s21+$0xA190];
	v4 =	vmul.f32 v8, v4  }
0xc1: {  	v8 =	vld [tilespmem:s21+$0xA1A0]  }
0xc2: {  	v14 =	vld [tilespmem:s21+$0xE190];
	v0 =	vadd.f32 v4, v0  }
0xc3: {  	v4 =	vld [tilespmem:s21+$0xA1B0]  }
0xc4: {  	v15 =	vld [tilespmem:s21+$0xE1A0]  }
0xc5: {  	v10 =	vadd.f32 v11, v10;
	v11 =	vadd.f32 v13, v12;
	v12 =	vld [tilespmem:s21+$0xA1C0]  }
0xc6: {  	v8 =	vadd.f32 v8, v9;
	v9 =	vld [tilespmem:s21+$0xE1B0]  }
0xc7: {  	v5 =	vsub.f32 v10, v5;
	v10 =	vsub.f32 v11, v14;
	v11 =	vld [tilespmem:s21+$0xA1D0]  }
0xc8: {  	v1 =	vadd.f32 v4, v1;
	v13 =	vld [tilespmem:s21+$0xE1C0]  }
0xc9: {  	v4 =	vmul.f32 v5, v5;
	v5 =	vmul.f32 v10, v10;
	v8 =	vsub.f32 v8, v15;
	v10 =	vld [tilespmem:s21+$0xA1E0]  }
0xca: {  	v7 =	vadd.f32 v12, v7;
	v12 =	vld [tilespmem:s21+$0xE1D0]  }
0xcb: {  	v5 =	vadd.f32 v5, v4;
	v8 =	vmul.f32 v8, v8;
	v1 =	vsub.f32 v1, v9;
	v9 =	vld [tilespmem:s21+$0xA1F0]  }
0xcc: {  	v6 =	vadd.f32 v11, v6;
	v11 =	vld [tilespmem:s21+$0xE1E0]  }
0xcd: {  	v4 =	vld [tilespmem:s21+$0x2180];
	v5 =	vadd.f32 v8, v5;
	v1 =	vmul.f32 v1, v1;
	v7 =	vsub.f32 v7, v13  }
0xce: {  	v8 =	vadd.f32 v10, v3;
	v10 =	vld [tilespmem:s21+$0xE1F0];
	s21 =	sshra.s32 s22, $0x2  }
0xcf: {  	v13 =	vld [tilespmem:s21+$0x61F0];
	v1 =	vadd.f32 v1, v5;
	v5 =	vmul.f32 v7, v7;
	v7 =	vsub.f32 v6, v12  }
0xd0: {  	v3 =	vld [tilespmem:s21+$0x61E0];
	v2 =	vadd.f32 v9, v2  }
0xd1: {  	v6 =	vld [tilespmem:s21+$0x61D0];
	v5 =	vadd.f32 v5, v1;
	v9 =	vmul.f32 v7, v7;
	v8 =	vsub.f32 v8, v11  }
0xd2: {  	v7 =	vld [tilespmem:s21+$0x61C0]  }
0xd3: {  	v1 =	vld [tilespmem:s21+$0x61B0];
	v11 =	vadd.f32 v9, v5;
	v8 =	vmul.f32 v8, v8;
	v10 =	vsub.f32 v2, v10  }
.Ltmp1:
0xd4: {  	v5 =	vld [tilespmem:s21+$0xE180];
	v2 =	vmov v13;
	(pc) =	sbr.rel @p0 .LBB2_4-.Ltmp1, $4  }
0xd5: {  	v9 =	vld [tilespmem:s21+$0x61A0];
	v8 =	vadd.f32 v8, v11;
	v12 =	vmul.f32 v10, v10  }
0xd6: {  	v10 =	vld [tilespmem:s21+$0x6180]  }
0xd7: {  	v11 =	vld [tilespmem:s21+$0xA180];
	v8 =	vadd.f32 v12, v8  }
0xd8: {  	s22 =	sadd.s32 $0x200, s22;
	v12 =	vld [tilespmem:s21+$0x6190]  }
0xd9: {  	v13 =	vld [tilespmem:s21+$0xA190]  }
0xda: {  	v14 =	vld [tilespmem:s21+$0xA1A0]  }
0xdb: {  	v15 =	vld [tilespmem:s21+$0xE190]  }
0xdc: {  	v16 =	vld [tilespmem:s21+$0xA1B0]  }
0xdd: {  	v17 =	vld [tilespmem:s21+$0xE1A0]  }
0xde: {  	v50 =	vld [tilespmem:s21+$0xA1C0];
	v10 =	vadd.f32 v11, v10;
	v49 =	vadd.f32 v13, v12  }
0xdf: {  	v51 =	vld [tilespmem:s21+$0xE1B0];
	v9 =	vadd.f32 v14, v9  }
0xe0: {  	v53 =	vld [tilespmem:s21+$0xA1D0];
	v5 =	vsub.f32 v10, v5;
	v52 =	vsub.f32 v49, v15  }
0xe1: {  	v54 =	vld [tilespmem:s21+$0xE1C0];
	v1 =	vadd.f32 v16, v1  }
0xe2: {  	v55 =	vld [tilespmem:s21+$0xA1E0];
	v5 =	vmul.f32 v5, v5;
	v9 =	vsub.f32 v9, v17;
	v10 =	vmul.f32 v52, v52  }
0xe3: {  	v56 =	vld [tilespmem:s21+$0xE1D0];
	v7 =	vadd.f32 v50, v7  }
0xe4: {  	v57 =	vld [tilespmem:s21+$0xA1F0];
	v1 =	vsub.f32 v1, v51;
	v9 =	vmul.f32 v9, v9;
	v5 =	vadd.f32 v10, v5  }
0xe5: {  	v58 =	vld [tilespmem:s21+$0xE1E0];
	v6 =	vadd.f32 v53, v6  }
0xe6: {  	v7 =	vsub.f32 v7, v54;
	v1 =	vmul.f32 v1, v1;
	v5 =	vadd.f32 v9, v5  }
0xe7: {  	v59 =	vld [tilespmem:s21+$0xE1F0];
	v3 =	vadd.f32 v55, v3  }
0xe8: {  	v6 =	vsub.f32 v6, v56;
	v60 =	vmul.f32 v7, v7;
	v1 =	vadd.f32 v1, v5  }
0xe9: {  	v2 =	vadd.f32 v57, v2  }
0xea: {  	v3 =	vsub.f32 v3, v58;
	v61 =	vmul.f32 v6, v6;
	v1 =	vadd.f32 v60, v1;
	_ =	sdelay $0x1  }
0xeb: {  	v2 =	vsub.f32 v2, v59;
	v3 =	vmul.f32 v3, v3;
	v1 =	vadd.f32 v61, v1  }
0xec: {  	v62 =	vld [tilespmem:s21+$0x2180]  }
0xed: {  	v2 =	vmul.f32 v2, v2;
	v1 =	vadd.f32 v3, v1;
	_ =	sdelay $0x1  }
0xee: {  	v63 =	vmul.f32 v8, v4;
	v1 =	vadd.f32 v2, v1;
	_ =	sdelay $0x1  }
0xef: {  	v0 =	vadd.f32 v63, v0;
	v1 =	vmul.f32 v1, v62;
	_ =	sdelay $0x1  }
0xf0: {  	s19 =	sadd.s32 $0x1, s19;
	v0 =	vadd.f32 v1, v0  }
0xf1: {  	p0 =	sne.s32 s19, s13  }
.Ltmp2:
0xf2: {  	[tilespmem:$0x10180] =	vst v0;
	(pc) =	sbr.rel @p0 .LBB2_1-.Ltmp2, $4  }
0xf3: {  	[hbm4b:s12+s4] =	stream.linear.scatter [tilespmem:s0], [sflag:$0x6], $0x80, $0x38;
	[tilespmem:$0x10200] =	vst v63  }
0xf4: {  	_ =	swait.ge [sflag:s1], $0x80  }
0xf5: {  	[sflag:s1] =	ssyncset.done $0x0  }
0xf6: {  	[sflag:s1] =	ssyncadd.s32 $0xFFFFFF80  }
0xf7: {  	_ =	sfence.sel $0x180000  }
0xf8: {  	[bflag:$0x0] =	sbarrier.arrive $0xFFFF  }
0xf9: {  	_ =	strace $0x90000047  }
0xfa: {  	s0 =	stileid.u32;
	[bflag:$0x2] =	sbarrier.arrive $0xFFFF  }
0xfb: {  	p0 =	sne.s32 s0, $0x0;
	s0 =	rddreg [dreg:$0x6]  }
0xfc: {  	s0 =	sadd.s32 @!p0 $0x100000, s0  }
0xfd: {  	[sflag:s0] =	ssyncadd.tile.s32 @!p0 $0x1;
	_ =	shalt  }
.Lfunc_end2:
_tile_overlayer_lowered:
.L_overlay_start_2:
0xfe: {  	(tag) =	ssettag $0x2  }
0xff: {  	s0 =	rddreg [dreg:$0x0];
	s2 =	stileid.u32  }
0x100: {  	s1 =	rddreg [dreg:$0x1];
	p0 =	sne.s32 s2, $0x0  }
0x101: {  	s3 =	rddreg [dreg:$0x2];
	[bflag:$0x3] =	sbarrier.arrive $0xFFFF;
	s2 =	simm.s32 @!p0 $0x1C06  }
0x102: {  	[timem:s3], [sflag:s2] =	dma.local @!p0 [hbm:s0], s1  }
0x103: {  	s0 =	simm.s32 @!p0 $0x6  }
0x104: {  	_ =	swait.ge @!p0 [sflag:s0], s1  }
0x105: {  	s1 =	ssub.s32 @!p0 $0x0, s1;
	[sflag:s0] =	ssyncset.done @!p0 $0x0  }
0x106: {  	[sflag:s0] =	ssyncadd.s32 @!p0 s1  }
0x107: {  	[bflag:$0x3] =	sbarrier.arrive $0xFFFF  }
0x108: {  	_ =	shalt  }

</sc_bundles>
